<compile_context>
chip_gen: v7x
topology: tpu7x:2x2x1
jax: 0.10.2.dev20260603
libtpu: 0.0.44.dev20260713+nightly
codegen_flags: <defaults>
</compile_context>

<pallas_src>
import functools

import jax
import jax.numpy as jnp
from jax import lax
from jax.experimental import pallas as pl
from jax.experimental.pallas import tpu as pltpu
from jax.experimental.pallas import tpu_sc as plsc

N = 4096
IMG = 64
BR = 512
NBLK = N // BR
ZSCALE = float((1.0 / (3.0 ** 0.5)) * 1.4426950408889634)
NEG = float("-inf")


def _att_body(xt_ref, wq_ref, wk_ref, bq_ref, colsum_ref):
    step = pl.program_id(0)
    x_blk = lax.transpose(xt_ref[:, pl.ds(step * BR, BR)], (1, 0))
    wq = wq_ref[...]
    wk = wk_ref[...]
    bq = bq_ref[...]
    m33 = lax.dot_general(wq, wk, (((0,), (0,)), ((), ())),
                          precision=lax.Precision.HIGHEST)
    v3 = lax.dot_general(bq, wk, (((1,), (0,)), ((), ())),
                         precision=lax.Precision.HIGHEST)
    a = (lax.dot_general(x_blk, m33, (((1,), (0,)), ((), ())),
                         precision=lax.Precision.HIGHEST) + v3) * ZSCALE
    z = (a[:, 0:1] * xt_ref[0:1, :]
         + a[:, 1:2] * xt_ref[1:2, :]
         + a[:, 2:3] * xt_ref[2:3, :])
    zmax = jnp.max(z, axis=1, keepdims=True)
    e = jnp.exp2(z - zmax)
    r = jnp.sum(e, axis=1, keepdims=True)
    ew = e * (1.0 / r)
    part = jnp.sum(ew, axis=0, keepdims=True)

    @pl.when(step == 0)
    def _():
        s3 = xt_ref[0:1, :] + xt_ref[1:2, :] + xt_ref[2:3, :]
        colsum_ref[1:2, :] = jnp.where(s3 == 765.0, 1.0, 0.0)
        colsum_ref[0:1, :] = part

    @pl.when(step != 0)
    def _():
        colsum_ref[0:1, :] += part


def _attention_colsum(xt, wq, wk, bq_row):
    return pl.pallas_call(
        _att_body,
        grid=(NBLK,),
        in_specs=[
            pl.BlockSpec((3, N), lambda i: (0, 0)),
            pl.BlockSpec((512, 3), lambda i: (0, 0)),
            pl.BlockSpec((512, 3), lambda i: (0, 0)),
            pl.BlockSpec((1, 512), lambda i: (0, 0)),
        ],
        out_specs=pl.BlockSpec((2, N), lambda i: (0, 0)),
        out_shape=jax.ShapeDtypeStruct((2, N), jnp.float32),
    )(xt, wq, wk, bq_row)


_GDN = lax.GatherDimensionNumbers(
    offset_dims=(), collapsed_slice_dims=(0,), start_index_map=(0,))


def _perm(x, idx16):
    return lax.gather(x, idx16.reshape(16, 1), _GDN, (1,),
                      mode=lax.GatherScatterMode.PROMISE_IN_BOUNDS)


SLICE = N // 16


def _sc_select_body(att_hbm, aux_hbm, out_hbm, att_loc, stage_v, stage_i,
                    col_v, cand_v, cand_i, aux_v, out_v, shr_v, shr_i):
    cid = lax.axis_index("c")
    sid = lax.axis_index("s")
    lane = lax.iota(jnp.int32, 16)
    neg = jnp.full((16,), NEG, jnp.float32)
    bigi = jnp.full((16,), N, jnp.int32)
    zero16 = jnp.zeros((16,), jnp.int32)

    def bfly(x, op):
        for c in (1, 2, 4, 8):
            x = op(x, _perm(x, lane ^ c))
        return x

    base = sid * SLICE
    pltpu.sync_copy(att_hbm.at[0, pl.ds(base, SLICE)], att_loc)

    @pl.when(jnp.logical_and(cid == 0, sid == 0))
    def _():
        pltpu.sync_copy(att_hbm.at[1, :], col_v)
        pltpu.sync_copy(aux_hbm, aux_v)

    def local_round(k, carry):
        topv, topi = carry

        def scan4(u, c):
            bv, bi = c
            for q in range(4):
                off = u * 64 + q * 16
                v = att_loc[pl.ds(off, 16)]
                upd = v > bv
                bv = jnp.where(upd, v, bv)
                bi = jnp.where(upd, off + lane, bi)
            return (bv, bi)

        bv, bi = lax.fori_loop(0, SLICE // 64, scan4, (neg, zero16))
        mval = bfly(bv, jnp.maximum)
        idx = bfly(jnp.where(bv == mval, bi, N), jnp.minimum)
        plsc.store_scatter(att_loc, [idx], neg, mask=lane == 0)
        return (jnp.where(lane == k, mval, topv),
                jnp.where(lane == k, base + idx, topi))

    topv, topi = lax.fori_loop(0, 10, local_round, (neg, bigi))

    stage_v[...] = topv
    stage_i[...] = topi
    pltpu.sync_copy(stage_v, shr_v.at[pl.ds(sid * 16, 16)])
    pltpu.sync_copy(stage_i, shr_i.at[pl.ds(sid * 16, 16)])
    plsc.subcore_barrier()

    @pl.when(jnp.logical_and(cid == 0, sid == 0))
    def _():
        pltpu.sync_copy(shr_v, cand_v)
        pltpu.sync_copy(shr_i, cand_i)

        def merge_round(k, carry):
            topi, pv, pi = carry

            def mscan(w, c):
                bv, bi = c
                for q in range(4):
                    off = w * 64 + q * 16
                    v = cand_v[pl.ds(off, 16)]
                    gi = cand_i[pl.ds(off, 16)]
                    acc = (v < pv) | ((v == pv) & (gi > pi))
                    v2 = jnp.where(acc, v, NEG)
                    g2 = jnp.where(acc, gi, N)
                    upd = (v2 > bv) | ((v2 == bv) & (g2 < bi))
                    bv = jnp.where(upd, v2, bv)
                    bi = jnp.where(upd, g2, bi)
                return (bv, bi)

            bv, bi = lax.fori_loop(0, 4, mscan, (neg, bigi))
            mval = bfly(bv, jnp.maximum)
            idx = bfly(jnp.where(bv == mval, bi, N), jnp.minimum)
            return (jnp.where(lane == k, idx, topi), mval, idx)

        topi, _, _ = lax.fori_loop(
            0, 10, merge_round,
            (bigi, jnp.full((16,), float("inf"), jnp.float32),
             jnp.full((16,), -1, jnp.int32)))

        rows = topi // IMG
        cols = topi % IMG
        xf = (rows.astype(jnp.float32) + 0.5) / float(IMG)
        yf = (cols.astype(jnp.float32) + 0.5) / float(IMG)
        colr = plsc.load_gather(col_v, [topi])

        logits = aux_v[pl.ds(480, 16)]
        for t in range(30):
            pp, cc = t // 3, t % 3
            src = (xf, yf, colr)[cc]
            f_t = _perm(src, jnp.full((16,), pp, jnp.int32))
            logits = logits + f_t * aux_v[pl.ds(t * 16, 16)]

        mlog = bfly(logits, jnp.maximum)
        e = jnp.where(lane < 15, jnp.exp(logits - mlog), 0.0)
        s = bfly(e, jnp.add)
        actions = e / s
        ma = bfly(actions, jnp.maximum)
        sel = bfly(jnp.where(actions == ma, lane, 99), jnp.minimum)
        res = jnp.where(ma > 0.3, sel, 4)
        out_v[...] = jnp.where(lane == 0, res, 0)
        pltpu.sync_copy(out_v, out_hbm)


@functools.lru_cache(maxsize=1)
def _build_sc_select():
    mesh = plsc.VectorSubcoreMesh(core_axis_name="c", subcore_axis_name="s")

    @functools.partial(
        pl.kernel,
        out_type=jax.ShapeDtypeStruct((16,), jnp.int32),
        mesh=mesh,
        compiler_params=pltpu.CompilerParams(needs_layout_passes=False),
        scratch_types=[
            pltpu.VMEM((SLICE,), jnp.float32),
            pltpu.VMEM((16,), jnp.float32),
            pltpu.VMEM((16,), jnp.int32),
            pltpu.VMEM((N,), jnp.float32),
            pltpu.VMEM((256,), jnp.float32),
            pltpu.VMEM((256,), jnp.int32),
            pltpu.VMEM((496,), jnp.float32),
            pltpu.VMEM((16,), jnp.int32),
            pltpu.VMEM_SHARED((256,), jnp.float32),
            pltpu.VMEM_SHARED((256,), jnp.int32),
        ],
    )
    def _sc_select(att_hbm, aux_hbm, out_hbm, att_loc, stage_v, stage_i,
                   col_v, cand_v, cand_i, aux_v, out_v, shr_v, shr_i):
        _sc_select_body(att_hbm, aux_hbm, out_hbm, att_loc, stage_v, stage_i,
                        col_v, cand_v, cand_i, aux_v, out_v, shr_v, shr_i)

    return _sc_select


def kernel(obs, Wq, bq, Wk, bk, Wc, bc):
    del bk
    xt = obs.reshape(N, 3).astype(jnp.float32).T
    bq_row = bq.reshape(1, 512)
    colsum = _attention_colsum(xt, Wq, Wk, bq_row)
    aux = jnp.concatenate([
        jnp.pad(Wc.T, ((0, 0), (0, 1))).reshape(480),
        bc, jnp.full((1,), -1e30, jnp.float32)])
    out16 = _build_sc_select()(colsum, aux)
    return out16[:1]

# --- scband reference (transcript-rebuilt; emitter-appended) ---
"""Pipeline reference for scband-agent-network-59897613910143 (READ-ONLY COPY).

The authoritative reference and input builder live on the scoring server;
editing this copy changes nothing except your own understanding.
"""

import jax, jax.numpy as jnp
import numpy as np

IMG = 64
C = 3
STRIDE = 1
Q_DIM = 512
K_DIM = 512
FIRST_BESTS = 10
THRESHOLD = 0.3
N_PATCHES = (IMG // STRIDE) ** 2  # 4096
PATCH_FEAT = STRIDE * STRIDE * C  # 3
FEAT_DIM = 3 * FIRST_BESTS        # 30 (color=True)
N_ACTIONS = 15


def setup_inputs(seed: int = 0) -> dict:
    key = jax.random.key(seed)
    ks = jax.random.split(key, 7)
    obs = jax.random.randint(ks[0], (IMG, IMG, C), 0, 256, dtype=jnp.int32)
    s = 1.0 / np.sqrt(PATCH_FEAT)
    Wq = jax.random.uniform(ks[1], (Q_DIM, PATCH_FEAT), minval=-s, maxval=s, dtype=jnp.float32)
    bq = jax.random.uniform(ks[2], (Q_DIM,), minval=-s, maxval=s, dtype=jnp.float32)
    Wk = jax.random.uniform(ks[3], (K_DIM, PATCH_FEAT), minval=-s, maxval=s, dtype=jnp.float32)
    bk = jax.random.uniform(ks[4], (K_DIM,), minval=-s, maxval=s, dtype=jnp.float32)
    sc = 1.0 / np.sqrt(FEAT_DIM)
    Wc = jax.random.uniform(ks[5], (N_ACTIONS, FEAT_DIM), minval=-sc, maxval=sc, dtype=jnp.float32)
    bc = jax.random.uniform(ks[6], (N_ACTIONS,), minval=-sc, maxval=sc, dtype=jnp.float32)
    return {"obs": obs, "Wq": Wq, "bq": bq, "Wk": Wk, "bk": bk, "Wc": Wc, "bc": bc}


def _get_patches(obs):
    # faithful to getPatches: row-major patch extraction with stride
    g = IMG // STRIDE
    p = obs.reshape(g, STRIDE, g, STRIDE, C).transpose(0, 2, 1, 3, 4)
    p = p.reshape(N_PATCHES, STRIDE, STRIDE, C)
    return p.astype(jnp.float32)


def reference(obs, Wq, bq, Wk, bk, Wc, bc):
    patches = _get_patches(obs)
    x = patches.reshape(N_PATCHES, -1)
    # SelfAttention.forward
    q = x @ Wq.T + bq
    k = x @ Wk.T + bk
    att = (q @ k.T) / (x.shape[1] ** 0.5)
    att = jax.nn.softmax(att, axis=1)
    # getBestPatches: column-sum, descending sort, take first firstBests (== top-k)
    patches_att = att.sum(axis=0)
    bests, idx = jax.lax.top_k(patches_att, FIRST_BESTS)
    # getFeaturesAndColors (color=True path)
    rows = idx // IMG
    cols = idx % IMG
    color = jnp.trunc(x.mean(axis=1)[idx] / 255.0)  # int() truncation of nonneg values
    move = STRIDE / 2.0
    xf = (rows.astype(jnp.float32) + move) / IMG
    yf = (cols.astype(jnp.float32) + move) / IMG
    features = jnp.stack([xf, yf, color], axis=1).reshape(-1)
    # MLPController.forward: linear + softmax over dim 0
    actions = jax.nn.softmax(features @ Wc.T + bc, axis=0)
    # selectAction
    sel = jnp.argmax(actions)
    out = jnp.where(actions[sel] > THRESHOLD, sel, 4)
    return out.reshape(1)

if __name__ == "__main__":
    import jax
    _d = setup_inputs()
    print(jax.jit(kernel)(*tuple(_d.values())))

</pallas_src>

<mosaic_0001>
#map = affine_map<(d0, d1) -> (0, 0)>
#map1 = affine_map<(d0, d1) -> (0)>
module attributes {stable_mosaic.version = 14 : i64} {
  func.func @_sc_select(%arg0: i32, %arg1: i32, %arg2: memref<2x4096xf32, #tpu.memory_space<hbm>>, %arg3: memref<496xf32, #tpu.memory_space<hbm>>, %arg4: memref<16xi32, #tpu.memory_space<hbm>>, %arg5: memref<256xf32, #tpu.memory_space<vmem>>, %arg6: memref<16xf32, #tpu.memory_space<vmem>>, %arg7: memref<16xi32, #tpu.memory_space<vmem>>, %arg8: memref<4096xf32, #tpu.memory_space<vmem>>, %arg9: memref<256xf32, #tpu.memory_space<vmem>>, %arg10: memref<256xi32, #tpu.memory_space<vmem>>, %arg11: memref<496xf32, #tpu.memory_space<vmem>>, %arg12: memref<16xi32, #tpu.memory_space<vmem>>, %arg13: memref<256xf32, #tpu.memory_space<vmem_shared>>, %arg14: memref<256xi32, #tpu.memory_space<vmem_shared>>) attributes {dimension_semantics = [#tpu.dimension_semantics<core_parallel>, #tpu.dimension_semantics<subcore_parallel>], iteration_bounds = array<i64: 2, 16>, scalar_prefetch = 0 : i64, scratch_operands = 10 : i64, tpu.core_type = #tpu.core_type<sc_vector_subcore>, window_params = [{transform_indices = #map}, {transform_indices = #map1}, {transform_indices = #map1}]} {
    %iota3A = tpu.iota {dimensions = array<i32: 0>} : vector<16xi32>
    %broadcast_in_dim3A = arith.constant 0xFF800000 : f32
    %broadcast_in_dim3A_0 = vector.broadcast %broadcast_in_dim3A : f32 to vector<16xf32>
    %broadcast_in_dim3A_1 = arith.constant 4096 : i32
    %broadcast_in_dim3A_2 = vector.broadcast %broadcast_in_dim3A_1 : i32 to vector<16xi32>
    %broadcast_in_dim3A_3 = arith.constant 0 : i32
    %broadcast_in_dim3A_4 = vector.broadcast %broadcast_in_dim3A_3 : i32 to vector<16xi32>
    %mul3A = arith.constant 256 : i32
    %mul3A_5 = arith.muli %arg1, %mul3A : i32
    %run_scoped3A = arith.constant 0 : i32
    "tpu.region"() ({
      %run_scoped3A_30 = tpu.sem_alloc : memref<!tpu.dma_semaphore, #tpu.memory_space<semaphore_mem>>
      %dma_start3A = tpu.memref_slice %arg2[%run_scoped3A, %mul3A_5] : memref<2x4096xf32, #tpu.memory_space<hbm>> -> memref<1x256xf32, #tpu.memory_space<hbm>>
      %dma_start3A_31 = tpu.memref_squeeze %dma_start3A : memref<1x256xf32, #tpu.memory_space<hbm>> -> memref<256xf32, #tpu.memory_space<hbm>>
      %dma_start3A_32 = tpu.memref_slice %arg2[%run_scoped3A, %mul3A_5] : memref<2x4096xf32, #tpu.memory_space<hbm>> -> memref<1x256xf32, #tpu.memory_space<hbm>>
      %dma_start3A_33 = tpu.memref_squeeze %dma_start3A_32 : memref<1x256xf32, #tpu.memory_space<hbm>> -> memref<256xf32, #tpu.memory_space<hbm>>
      tpu.enqueue_dma source(%dma_start3A_33 : memref<256xf32, #tpu.memory_space<hbm>>) target(%arg5 : memref<256xf32, #tpu.memory_space<vmem>>) target_semaphore(%run_scoped3A_30 : memref<!tpu.dma_semaphore, #tpu.memory_space<semaphore_mem>>)
      %dma_wait3A = tpu.memref_slice %arg2[%run_scoped3A, %mul3A_5] : memref<2x4096xf32, #tpu.memory_space<hbm>> -> memref<1x256xf32, #tpu.memory_space<hbm>>
      %dma_wait3A_34 = tpu.memref_squeeze %dma_wait3A : memref<1x256xf32, #tpu.memory_space<hbm>> -> memref<256xf32, #tpu.memory_space<hbm>>
      %dma_wait3A_35 = tpu.memref_slice %arg2[%run_scoped3A, %mul3A_5] : memref<2x4096xf32, #tpu.memory_space<hbm>> -> memref<1x256xf32, #tpu.memory_space<hbm>>
      %dma_wait3A_36 = tpu.memref_squeeze %dma_wait3A_35 : memref<1x256xf32, #tpu.memory_space<hbm>> -> memref<256xf32, #tpu.memory_space<hbm>>
      tpu.wait_dma2 semaphore(%run_scoped3A_30 : memref<!tpu.dma_semaphore, #tpu.memory_space<semaphore_mem>>) src(%dma_wait3A_36 : memref<256xf32, #tpu.memory_space<hbm>>) dst(%arg5 : memref<256xf32, #tpu.memory_space<vmem>>)
      tpu.yield
    }) : () -> ()
    %eq3A = arith.constant 0 : i32
    %eq3A_6 = arith.cmpi eq, %arg0, %eq3A : i32
    %eq3A_7 = arith.constant 0 : i32
    %eq3A_8 = arith.cmpi eq, %arg1, %eq3A_7 : i32
    %and3A = arith.andi %eq3A_6, %eq3A_8 : i1
    %convert_element_type3A = arith.extui %and3A : i1 to i32
    %cond3A = arith.constant 0 : i32
    %cond3A_9 = arith.cmpi ne, %convert_element_type3A, %cond3A : i32
    scf.if %cond3A_9 {
      %run_scoped3A_30 = arith.constant 1 : i32
      "tpu.region"() ({
        %run_scoped3A_31 = tpu.sem_alloc : memref<!tpu.dma_semaphore, #tpu.memory_space<semaphore_mem>>
        %dma_start3A = arith.constant 0 : i32
        %dma_start3A_32 = tpu.memref_slice %arg2[%run_scoped3A_30, %dma_start3A] : memref<2x4096xf32, #tpu.memory_space<hbm>> -> memref<1x4096xf32, #tpu.memory_space<hbm>>
        %dma_start3A_33 = tpu.memref_squeeze %dma_start3A_32 : memref<1x4096xf32, #tpu.memory_space<hbm>> -> memref<4096xf32, #tpu.memory_space<hbm>>
        %dma_start3A_34 = arith.constant 0 : i32
        %dma_start3A_35 = tpu.memref_slice %arg2[%run_scoped3A_30, %dma_start3A_34] : memref<2x4096xf32, #tpu.memory_space<hbm>> -> memref<1x4096xf32, #tpu.memory_space<hbm>>
        %dma_start3A_36 = tpu.memref_squeeze %dma_start3A_35 : memref<1x4096xf32, #tpu.memory_space<hbm>> -> memref<4096xf32, #tpu.memory_space<hbm>>
        tpu.enqueue_dma source(%dma_start3A_36 : memref<4096xf32, #tpu.memory_space<hbm>>) target(%arg8 : memref<4096xf32, #tpu.memory_space<vmem>>) target_semaphore(%run_scoped3A_31 : memref<!tpu.dma_semaphore, #tpu.memory_space<semaphore_mem>>)
        %dma_wait3A = arith.constant 0 : i32
        %dma_wait3A_37 = tpu.memref_slice %arg2[%run_scoped3A_30, %dma_wait3A] : memref<2x4096xf32, #tpu.memory_space<hbm>> -> memref<1x4096xf32, #tpu.memory_space<hbm>>
        %dma_wait3A_38 = tpu.memref_squeeze %dma_wait3A_37 : memref<1x4096xf32, #tpu.memory_space<hbm>> -> memref<4096xf32, #tpu.memory_space<hbm>>
        %dma_wait3A_39 = arith.constant 0 : i32
        %dma_wait3A_40 = tpu.memref_slice %arg2[%run_scoped3A_30, %dma_wait3A_39] : memref<2x4096xf32, #tpu.memory_space<hbm>> -> memref<1x4096xf32, #tpu.memory_space<hbm>>
        %dma_wait3A_41 = tpu.memref_squeeze %dma_wait3A_40 : memref<1x4096xf32, #tpu.memory_space<hbm>> -> memref<4096xf32, #tpu.memory_space<hbm>>
        tpu.wait_dma2 semaphore(%run_scoped3A_31 : memref<!tpu.dma_semaphore, #tpu.memory_space<semaphore_mem>>) src(%dma_wait3A_41 : memref<4096xf32, #tpu.memory_space<hbm>>) dst(%arg8 : memref<4096xf32, #tpu.memory_space<vmem>>)
        tpu.yield
      }) : () -> ()
      "tpu.region"() ({
        %run_scoped3A_31 = tpu.sem_alloc : memref<!tpu.dma_semaphore, #tpu.memory_space<semaphore_mem>>
        tpu.enqueue_dma source(%arg3 : memref<496xf32, #tpu.memory_space<hbm>>) target(%arg11 : memref<496xf32, #tpu.memory_space<vmem>>) target_semaphore(%run_scoped3A_31 : memref<!tpu.dma_semaphore, #tpu.memory_space<semaphore_mem>>)
        tpu.wait_dma2 semaphore(%run_scoped3A_31 : memref<!tpu.dma_semaphore, #tpu.memory_space<semaphore_mem>>) src(%arg3 : memref<496xf32, #tpu.memory_space<hbm>>) dst(%arg11 : memref<496xf32, #tpu.memory_space<vmem>>)
        tpu.yield
      }) : () -> ()
    } else {
    }
    %scan3A = arith.constant 0 : i32
    %scan3A_10 = arith.constant 10 : i32
    %scan3A_11 = arith.addi %scan3A, %scan3A_10 : i32
    %scan3A_12 = arith.constant 1 : i32
    %scan3A_13:2 = scf.for %scan3A_30 = %scan3A to %scan3A_11 step %scan3A_12 iter_args(%scan3A_31 = %broadcast_in_dim3A_0, %scan3A_32 = %broadcast_in_dim3A_2) -> (vector<16xf32>, vector<16xi32>)  : i32 {
      %scan3A_33 = arith.constant 0 : i32
      %scan3A_34 = arith.constant 4 : i32
      %scan3A_35 = arith.addi %scan3A_33, %scan3A_34 : i32
      %scan3A_36 = arith.constant 1 : i32
      %scan3A_37:2 = scf.for %scan3A_102 = %scan3A_33 to %scan3A_35 step %scan3A_36 iter_args(%scan3A_103 = %broadcast_in_dim3A_0, %scan3A_104 = %broadcast_in_dim3A_4) -> (vector<16xf32>, vector<16xi32>)  : i32 {
        %mul3A_105 = arith.constant 64 : i32
        %mul3A_106 = arith.muli %scan3A_102, %mul3A_105 : i32
        %add3A_107 = arith.constant 0 : i32
        %add3A_108 = arith.addi %mul3A_106, %add3A_107 : i32
        %get3A = arith.index_cast %add3A_108 : i32 to index
        %get3A_109 = tpu.vector_load %arg5[%get3A] {strides = array<i32>} : memref<256xf32, #tpu.memory_space<vmem>>, vector<16xf32>,
        %gt3A = arith.cmpf ogt, %get3A_109, %scan3A_103 : vector<16xf32>
        %select_n3A_110 = arith.select %gt3A, %get3A_109, %scan3A_103 : vector<16xi1>, vector<16xf32>
        %add3A_111 = vector.broadcast %add3A_108 : i32 to vector<16xi32>
        %add3A_112 = arith.addi %add3A_111, %iota3A : vector<16xi32>
        %select_n3A_113 = arith.select %gt3A, %add3A_112, %scan3A_104 : vector<16xi1>, vector<16xi32>
        %mul3A_114 = arith.constant 64 : i32
        %mul3A_115 = arith.muli %scan3A_102, %mul3A_114 : i32
        %add3A_116 = arith.constant 16 : i32
        %add3A_117 = arith.addi %mul3A_115, %add3A_116 : i32
        %get3A_118 = arith.index_cast %add3A_117 : i32 to index
        %get3A_119 = tpu.vector_load %arg5[%get3A_118] {strides = array<i32>} : memref<256xf32, #tpu.memory_space<vmem>>, vector<16xf32>,
        %gt3A_120 = arith.cmpf ogt, %get3A_119, %select_n3A_110 : vector<16xf32>
        %select_n3A_121 = arith.select %gt3A_120, %get3A_119, %select_n3A_110 : vector<16xi1>, vector<16xf32>
        %add3A_122 = vector.broadcast %add3A_117 : i32 to vector<16xi32>
        %add3A_123 = arith.addi %add3A_122, %iota3A : vector<16xi32>
        %select_n3A_124 = arith.select %gt3A_120, %add3A_123, %select_n3A_113 : vector<16xi1>, vector<16xi32>
        %mul3A_125 = arith.constant 64 : i32
        %mul3A_126 = arith.muli %scan3A_102, %mul3A_125 : i32
        %add3A_127 = arith.constant 32 : i32
        %add3A_128 = arith.addi %mul3A_126, %add3A_127 : i32
        %get3A_129 = arith.index_cast %add3A_128 : i32 to index
        %get3A_130 = tpu.vector_load %arg5[%get3A_129] {strides = array<i32>} : memref<256xf32, #tpu.memory_space<vmem>>, vector<16xf32>,
        %gt3A_131 = arith.cmpf ogt, %get3A_130, %select_n3A_121 : vector<16xf32>
        %select_n3A_132 = arith.select %gt3A_131, %get3A_130, %select_n3A_121 : vector<16xi1>, vector<16xf32>
        %add3A_133 = vector.broadcast %add3A_128 : i32 to vector<16xi32>
        %add3A_134 = arith.addi %add3A_133, %iota3A : vector<16xi32>
        %select_n3A_135 = arith.select %gt3A_131, %add3A_134, %select_n3A_124 : vector<16xi1>, vector<16xi32>
        %mul3A_136 = arith.constant 64 : i32
        %mul3A_137 = arith.muli %scan3A_102, %mul3A_136 : i32
        %add3A_138 = arith.constant 48 : i32
        %add3A_139 = arith.addi %mul3A_137, %add3A_138 : i32
        %get3A_140 = arith.index_cast %add3A_139 : i32 to index
        %get3A_141 = tpu.vector_load %arg5[%get3A_140] {strides = array<i32>} : memref<256xf32, #tpu.memory_space<vmem>>, vector<16xf32>,
        %gt3A_142 = arith.cmpf ogt, %get3A_141, %select_n3A_132 : vector<16xf32>
        %select_n3A_143 = arith.select %gt3A_142, %get3A_141, %select_n3A_132 : vector<16xi1>, vector<16xf32>
        %add3A_144 = vector.broadcast %add3A_139 : i32 to vector<16xi32>
        %add3A_145 = arith.addi %add3A_144, %iota3A : vector<16xi32>
        %select_n3A_146 = arith.select %gt3A_142, %add3A_145, %select_n3A_135 : vector<16xi1>, vector<16xi32>
        scf.yield %select_n3A_143, %select_n3A_146 : vector<16xf32>, vector<16xi32>
      }
      %scan3A_38 = arith.constant 4 : i32
      %xor3A = arith.constant 1 : i32
      %xor3A_39 = vector.broadcast %xor3A : i32 to vector<16xi32>
      %xor3A_40 = arith.xori %iota3A, %xor3A_39 : vector<16xi32>
      %reshape3A = vector.shape_cast %xor3A_40 : vector<16xi32> to vector<16x1xi32>
      %gather3A = vector.shape_cast %reshape3A : vector<16x1xi32> to vector<16xi32>
      %gather3A_41 = tpu.dynamic_gather %scan3A_37#0[%gather3A] in [0] : vector<16xf32>, vector<16xi32> -> vector<16xf32>
      %max3A = arith.maximumf %scan3A_37#0, %gather3A_41 : vector<16xf32>
      %xor3A_42 = arith.constant 2 : i32
      %xor3A_43 = vector.broadcast %xor3A_42 : i32 to vector<16xi32>
      %xor3A_44 = arith.xori %iota3A, %xor3A_43 : vector<16xi32>
      %reshape3A_45 = vector.shape_cast %xor3A_44 : vector<16xi32> to vector<16x1xi32>
      %gather3A_46 = vector.shape_cast %reshape3A_45 : vector<16x1xi32> to vector<16xi32>
      %gather3A_47 = tpu.dynamic_gather %max3A[%gather3A_46] in [0] : vector<16xf32>, vector<16xi32> -> vector<16xf32>
      %max3A_48 = arith.maximumf %max3A, %gather3A_47 : vector<16xf32>
      %xor3A_49 = arith.constant 4 : i32
      %xor3A_50 = vector.broadcast %xor3A_49 : i32 to vector<16xi32>
      %xor3A_51 = arith.xori %iota3A, %xor3A_50 : vector<16xi32>
      %reshape3A_52 = vector.shape_cast %xor3A_51 : vector<16xi32> to vector<16x1xi32>
      %gather3A_53 = vector.shape_cast %reshape3A_52 : vector<16x1xi32> to vector<16xi32>
      %gather3A_54 = tpu.dynamic_gather %max3A_48[%gather3A_53] in [0] : vector<16xf32>, vector<16xi32> -> vector<16xf32>
      %max3A_55 = arith.maximumf %max3A_48, %gather3A_54 : vector<16xf32>
      %xor3A_56 = arith.constant 8 : i32
      %xor3A_57 = vector.broadcast %xor3A_56 : i32 to vector<16xi32>
      %xor3A_58 = arith.xori %iota3A, %xor3A_57 : vector<16xi32>
      %reshape3A_59 = vector.shape_cast %xor3A_58 : vector<16xi32> to vector<16x1xi32>
      %gather3A_60 = vector.shape_cast %reshape3A_59 : vector<16x1xi32> to vector<16xi32>
      %gather3A_61 = tpu.dynamic_gather %max3A_55[%gather3A_60] in [0] : vector<16xf32>, vector<16xi32> -> vector<16xf32>
      %max3A_62 = arith.maximumf %max3A_55, %gather3A_61 : vector<16xf32>
      %eq3A_63 = arith.cmpf oeq, %scan3A_37#0, %max3A_62 : vector<16xf32>
      %jit3A = arith.constant 4096 : i32
      %broadcast_in_dim3A_64 = vector.broadcast %jit3A : i32 to vector<16xi32>
      %select_n3A = arith.select %eq3A_63, %scan3A_37#1, %broadcast_in_dim3A_64 : vector<16xi1>, vector<16xi32>
      %xor3A_65 = arith.constant 1 : i32
      %xor3A_66 = vector.broadcast %xor3A_65 : i32 to vector<16xi32>
      %xor3A_67 = arith.xori %iota3A, %xor3A_66 : vector<16xi32>
      %reshape3A_68 = vector.shape_cast %xor3A_67 : vector<16xi32> to vector<16x1xi32>
      %gather3A_69 = vector.shape_cast %reshape3A_68 : vector<16x1xi32> to vector<16xi32>
      %gather3A_70 = tpu.dynamic_gather %select_n3A[%gather3A_69] in [0] : vector<16xi32>, vector<16xi32> -> vector<16xi32>
      %min3A = arith.minsi %select_n3A, %gather3A_70 : vector<16xi32>
      %xor3A_71 = arith.constant 2 : i32
      %xor3A_72 = vector.broadcast %xor3A_71 : i32 to vector<16xi32>
      %xor3A_73 = arith.xori %iota3A, %xor3A_72 : vector<16xi32>
      %reshape3A_74 = vector.shape_cast %xor3A_73 : vector<16xi32> to vector<16x1xi32>
      %gather3A_75 = vector.shape_cast %reshape3A_74 : vector<16x1xi32> to vector<16xi32>
      %gather3A_76 = tpu.dynamic_gather %min3A[%gather3A_75] in [0] : vector<16xi32>, vector<16xi32> -> vector<16xi32>
      %min3A_77 = arith.minsi %min3A, %gather3A_76 : vector<16xi32>
      %xor3A_78 = arith.constant 4 : i32
      %xor3A_79 = vector.broadcast %xor3A_78 : i32 to vector<16xi32>
      %xor3A_80 = arith.xori %iota3A, %xor3A_79 : vector<16xi32>
      %reshape3A_81 = vector.shape_cast %xor3A_80 : vector<16xi32> to vector<16x1xi32>
      %gather3A_82 = vector.shape_cast %reshape3A_81 : vector<16x1xi32> to vector<16xi32>
      %gather3A_83 = tpu.dynamic_gather %min3A_77[%gather3A_82] in [0] : vector<16xi32>, vector<16xi32> -> vector<16xi32>
      %min3A_84 = arith.minsi %min3A_77, %gather3A_83 : vector<16xi32>
      %xor3A_85 = arith.constant 8 : i32
      %xor3A_86 = vector.broadcast %xor3A_85 : i32 to vector<16xi32>
      %xor3A_87 = arith.xori %iota3A, %xor3A_86 : vector<16xi32>
      %reshape3A_88 = vector.shape_cast %xor3A_87 : vector<16xi32> to vector<16x1xi32>
      %gather3A_89 = vector.shape_cast %reshape3A_88 : vector<16x1xi32> to vector<16xi32>
      %gather3A_90 = tpu.dynamic_gather %min3A_84[%gather3A_89] in [0] : vector<16xi32>, vector<16xi32> -> vector<16xi32>
      %min3A_91 = arith.minsi %min3A_84, %gather3A_90 : vector<16xi32>
      %eq3A_92 = arith.constant 0 : i32
      %eq3A_93 = vector.broadcast %eq3A_92 : i32 to vector<16xi32>
      %eq3A_94 = arith.cmpi eq, %iota3A, %eq3A_93 : vector<16xi32>
      tpu.vector_store_idx %arg5[%min3A_91], %broadcast_in_dim3A_0 masked %eq3A_94 : memref<256xf32, #tpu.memory_space<vmem>>[vector<16xi32>], vector<16xf32>, vector<16xi1>
      %eq3A_95 = vector.broadcast %scan3A_30 : i32 to vector<16xi32>
      %eq3A_96 = arith.cmpi eq, %iota3A, %eq3A_95 : vector<16xi32>
      %select_n3A_97 = arith.select %eq3A_96, %max3A_62, %scan3A_31 : vector<16xi1>, vector<16xf32>
      %eq3A_98 = vector.broadcast %scan3A_30 : i32 to vector<16xi32>
      %eq3A_99 = arith.cmpi eq, %iota3A, %eq3A_98 : vector<16xi32>
      %add3A = vector.broadcast %mul3A_5 : i32 to vector<16xi32>
      %add3A_100 = arith.addi %add3A, %min3A_91 : vector<16xi32>
      %select_n3A_101 = arith.select %eq3A_99, %add3A_100, %scan3A_32 : vector<16xi1>, vector<16xi32>
      scf.yield %select_n3A_97, %select_n3A_101 : vector<16xf32>, vector<16xi32>
    }
    %scan3A_14 = arith.constant 10 : i32
    %swap3A = arith.constant 0 : index
    %swap3A_15 = tpu.vector_load %arg6[%swap3A] {strides = array<i32>} : memref<16xf32, #tpu.memory_space<vmem>>, vector<16xf32>,
    tpu.vector_store %arg6[%swap3A], %scan3A_13#0 {strides = array<i32>} : memref<16xf32, #tpu.memory_space<vmem>>, vector<16xf32>,
    %swap3A_16 = arith.constant 0 : index
    %swap3A_17 = tpu.vector_load %arg7[%swap3A_16] {strides = array<i32>} : memref<16xi32, #tpu.memory_space<vmem>>, vector<16xi32>,
    tpu.vector_store %arg7[%swap3A_16], %scan3A_13#1 {strides = array<i32>} : memref<16xi32, #tpu.memory_space<vmem>>, vector<16xi32>,
    %mul3A_18 = arith.constant 16 : i32
    %mul3A_19 = arith.muli %arg1, %mul3A_18 : i32
    "tpu.region"() ({
      %run_scoped3A_30 = tpu.sem_alloc : memref<!tpu.dma_semaphore, #tpu.memory_space<semaphore_mem>>
      %dma_start3A = tpu.memref_slice %arg13[%mul3A_19] : memref<256xf32, #tpu.memory_space<vmem_shared>> -> memref<16xf32, #tpu.memory_space<vmem_shared>>
      %dma_start3A_31 = tpu.memref_slice %arg13[%mul3A_19] : memref<256xf32, #tpu.memory_space<vmem_shared>> -> memref<16xf32, #tpu.memory_space<vmem_shared>>
      tpu.enqueue_dma source(%arg6 : memref<16xf32, #tpu.memory_space<vmem>>) target(%dma_start3A_31 : memref<16xf32, #tpu.memory_space<vmem_shared>>) target_semaphore(%run_scoped3A_30 : memref<!tpu.dma_semaphore, #tpu.memory_space<semaphore_mem>>)
      %dma_wait3A = tpu.memref_slice %arg13[%mul3A_19] : memref<256xf32, #tpu.memory_space<vmem_shared>> -> memref<16xf32, #tpu.memory_space<vmem_shared>>
      %dma_wait3A_32 = tpu.memref_slice %arg13[%mul3A_19] : memref<256xf32, #tpu.memory_space<vmem_shared>> -> memref<16xf32, #tpu.memory_space<vmem_shared>>
      tpu.wait_dma2 semaphore(%run_scoped3A_30 : memref<!tpu.dma_semaphore, #tpu.memory_space<semaphore_mem>>) src(%arg6 : memref<16xf32, #tpu.memory_space<vmem>>) dst(%dma_wait3A_32 : memref<16xf32, #tpu.memory_space<vmem_shared>>)
      tpu.yield
    }) : () -> ()
    %mul3A_20 = arith.constant 16 : i32
    %mul3A_21 = arith.muli %arg1, %mul3A_20 : i32
    "tpu.region"() ({
      %run_scoped3A_30 = tpu.sem_alloc : memref<!tpu.dma_semaphore, #tpu.memory_space<semaphore_mem>>
      %dma_start3A = tpu.memref_slice %arg14[%mul3A_21] : memref<256xi32, #tpu.memory_space<vmem_shared>> -> memref<16xi32, #tpu.memory_space<vmem_shared>>
      %dma_start3A_31 = tpu.memref_slice %arg14[%mul3A_21] : memref<256xi32, #tpu.memory_space<vmem_shared>> -> memref<16xi32, #tpu.memory_space<vmem_shared>>
      tpu.enqueue_dma source(%arg7 : memref<16xi32, #tpu.memory_space<vmem>>) target(%dma_start3A_31 : memref<16xi32, #tpu.memory_space<vmem_shared>>) target_semaphore(%run_scoped3A_30 : memref<!tpu.dma_semaphore, #tpu.memory_space<semaphore_mem>>)
      %dma_wait3A = tpu.memref_slice %arg14[%mul3A_21] : memref<256xi32, #tpu.memory_space<vmem_shared>> -> memref<16xi32, #tpu.memory_space<vmem_shared>>
      %dma_wait3A_32 = tpu.memref_slice %arg14[%mul3A_21] : memref<256xi32, #tpu.memory_space<vmem_shared>> -> memref<16xi32, #tpu.memory_space<vmem_shared>>
      tpu.wait_dma2 semaphore(%run_scoped3A_30 : memref<!tpu.dma_semaphore, #tpu.memory_space<semaphore_mem>>) src(%arg7 : memref<16xi32, #tpu.memory_space<vmem>>) dst(%dma_wait3A_32 : memref<16xi32, #tpu.memory_space<vmem_shared>>)
      tpu.yield
    }) : () -> ()
    %barrier3A = arith.constant 0 : index
    tpu.barrier barrier_id(%barrier3A)
    %eq3A_22 = arith.constant 0 : i32
    %eq3A_23 = arith.cmpi eq, %arg0, %eq3A_22 : i32
    %eq3A_24 = arith.constant 0 : i32
    %eq3A_25 = arith.cmpi eq, %arg1, %eq3A_24 : i32
    %and3A_26 = arith.andi %eq3A_23, %eq3A_25 : i1
    %convert_element_type3A_27 = arith.extui %and3A_26 : i1 to i32
    %cond3A_28 = arith.constant 0 : i32
    %cond3A_29 = arith.cmpi ne, %convert_element_type3A_27, %cond3A_28 : i32
    scf.if %cond3A_29 {
      "tpu.region"() ({
        %run_scoped3A_502 = tpu.sem_alloc : memref<!tpu.dma_semaphore, #tpu.memory_space<semaphore_mem>>
        tpu.enqueue_dma source(%arg13 : memref<256xf32, #tpu.memory_space<vmem_shared>>) target(%arg9 : memref<256xf32, #tpu.memory_space<vmem>>) target_semaphore(%run_scoped3A_502 : memref<!tpu.dma_semaphore, #tpu.memory_space<semaphore_mem>>)
        tpu.wait_dma2 semaphore(%run_scoped3A_502 : memref<!tpu.dma_semaphore, #tpu.memory_space<semaphore_mem>>) src(%arg13 : memref<256xf32, #tpu.memory_space<vmem_shared>>) dst(%arg9 : memref<256xf32, #tpu.memory_space<vmem>>)
        tpu.yield
      }) : () -> ()
      "tpu.region"() ({
        %run_scoped3A_502 = tpu.sem_alloc : memref<!tpu.dma_semaphore, #tpu.memory_space<semaphore_mem>>
        tpu.enqueue_dma source(%arg14 : memref<256xi32, #tpu.memory_space<vmem_shared>>) target(%arg10 : memref<256xi32, #tpu.memory_space<vmem>>) target_semaphore(%run_scoped3A_502 : memref<!tpu.dma_semaphore, #tpu.memory_space<semaphore_mem>>)
        tpu.wait_dma2 semaphore(%run_scoped3A_502 : memref<!tpu.dma_semaphore, #tpu.memory_space<semaphore_mem>>) src(%arg14 : memref<256xi32, #tpu.memory_space<vmem_shared>>) dst(%arg10 : memref<256xi32, #tpu.memory_space<vmem>>)
        tpu.yield
      }) : () -> ()
      %broadcast_in_dim3A_30 = arith.constant 0x7F800000 : f32
      %broadcast_in_dim3A_31 = vector.broadcast %broadcast_in_dim3A_30 : f32 to vector<16xf32>
      %broadcast_in_dim3A_32 = arith.constant -1 : i32
      %broadcast_in_dim3A_33 = vector.broadcast %broadcast_in_dim3A_32 : i32 to vector<16xi32>
      %scan3A_34 = arith.constant 0 : i32
      %scan3A_35 = arith.constant 10 : i32
      %scan3A_36 = arith.addi %scan3A_34, %scan3A_35 : i32
      %scan3A_37 = arith.constant 1 : i32
      %scan3A_38:3 = scf.for %scan3A_502 = %scan3A_34 to %scan3A_36 step %scan3A_37 iter_args(%scan3A_503 = %broadcast_in_dim3A_2, %scan3A_504 = %broadcast_in_dim3A_31, %scan3A_505 = %broadcast_in_dim3A_33) -> (vector<16xi32>, vector<16xf32>, vector<16xi32>)  : i32 {
        %scan3A_506 = arith.constant 0 : i32
        %scan3A_507 = arith.constant 4 : i32
        %scan3A_508 = arith.addi %scan3A_506, %scan3A_507 : i32
        %scan3A_509 = arith.constant 1 : i32
        %scan3A_510:2 = scf.for %scan3A_575 = %scan3A_506 to %scan3A_508 step %scan3A_509 iter_args(%scan3A_576 = %broadcast_in_dim3A_0, %scan3A_577 = %broadcast_in_dim3A_2) -> (vector<16xf32>, vector<16xi32>)  : i32 {
          %mul3A_578 = arith.constant 64 : i32
          %mul3A_579 = arith.muli %scan3A_575, %mul3A_578 : i32
          %add3A_580 = arith.constant 0 : i32
          %add3A_581 = arith.addi %mul3A_579, %add3A_580 : i32
          %get3A_582 = arith.index_cast %add3A_581 : i32 to index
          %get3A_583 = tpu.vector_load %arg9[%get3A_582] {strides = array<i32>} : memref<256xf32, #tpu.memory_space<vmem>>, vector<16xf32>,
          %get3A_584 = arith.index_cast %add3A_581 : i32 to index
          %get3A_585 = tpu.vector_load %arg10[%get3A_584] {strides = array<i32>} : memref<256xi32, #tpu.memory_space<vmem>>, vector<16xi32>,
          %lt3A_586 = arith.cmpf olt, %get3A_583, %scan3A_504 : vector<16xf32>
          %eq3A_587 = arith.cmpf oeq, %get3A_583, %scan3A_504 : vector<16xf32>
          %gt3A_588 = arith.cmpi sgt, %get3A_585, %scan3A_505 : vector<16xi32>
          %and3A_589 = arith.andi %eq3A_587, %gt3A_588 : vector<16xi1>
          %or3A = arith.ori %lt3A_586, %and3A_589 : vector<16xi1>
          %jit3A_590 = arith.constant 0xFF800000 : f32
          %broadcast_in_dim3A_591 = vector.broadcast %jit3A_590 : f32 to vector<16xf32>
          %select_n3A_592 = arith.select %or3A, %get3A_583, %broadcast_in_dim3A_591 : vector<16xi1>, vector<16xf32>
          %jit3A_593 = arith.constant 4096 : i32
          %broadcast_in_dim3A_594 = vector.broadcast %jit3A_593 : i32 to vector<16xi32>
          %select_n3A_595 = arith.select %or3A, %get3A_585, %broadcast_in_dim3A_594 : vector<16xi1>, vector<16xi32>
          %gt3A_596 = arith.cmpf ogt, %select_n3A_592, %scan3A_576 : vector<16xf32>
          %eq3A_597 = arith.cmpf oeq, %select_n3A_592, %scan3A_576 : vector<16xf32>
          %lt3A_598 = arith.cmpi slt, %select_n3A_595, %scan3A_577 : vector<16xi32>
          %and3A_599 = arith.andi %eq3A_597, %lt3A_598 : vector<16xi1>
          %or3A_600 = arith.ori %gt3A_596, %and3A_599 : vector<16xi1>
          %select_n3A_601 = arith.select %or3A_600, %select_n3A_592, %scan3A_576 : vector<16xi1>, vector<16xf32>
          %select_n3A_602 = arith.select %or3A_600, %select_n3A_595, %scan3A_577 : vector<16xi1>, vector<16xi32>
          %mul3A_603 = arith.constant 64 : i32
          %mul3A_604 = arith.muli %scan3A_575, %mul3A_603 : i32
          %add3A_605 = arith.constant 16 : i32
          %add3A_606 = arith.addi %mul3A_604, %add3A_605 : i32
          %get3A_607 = arith.index_cast %add3A_606 : i32 to index
          %get3A_608 = tpu.vector_load %arg9[%get3A_607] {strides = array<i32>} : memref<256xf32, #tpu.memory_space<vmem>>, vector<16xf32>,
          %get3A_609 = arith.index_cast %add3A_606 : i32 to index
          %get3A_610 = tpu.vector_load %arg10[%get3A_609] {strides = array<i32>} : memref<256xi32, #tpu.memory_space<vmem>>, vector<16xi32>,
          %lt3A_611 = arith.cmpf olt, %get3A_608, %scan3A_504 : vector<16xf32>
          %eq3A_612 = arith.cmpf oeq, %get3A_608, %scan3A_504 : vector<16xf32>
          %gt3A_613 = arith.cmpi sgt, %get3A_610, %scan3A_505 : vector<16xi32>
          %and3A_614 = arith.andi %eq3A_612, %gt3A_613 : vector<16xi1>
          %or3A_615 = arith.ori %lt3A_611, %and3A_614 : vector<16xi1>
          %jit3A_616 = arith.constant 0xFF800000 : f32
          %broadcast_in_dim3A_617 = vector.broadcast %jit3A_616 : f32 to vector<16xf32>
          %select_n3A_618 = arith.select %or3A_615, %get3A_608, %broadcast_in_dim3A_617 : vector<16xi1>, vector<16xf32>
          %jit3A_619 = arith.constant 4096 : i32
          %broadcast_in_dim3A_620 = vector.broadcast %jit3A_619 : i32 to vector<16xi32>
          %select_n3A_621 = arith.select %or3A_615, %get3A_610, %broadcast_in_dim3A_620 : vector<16xi1>, vector<16xi32>
          %gt3A_622 = arith.cmpf ogt, %select_n3A_618, %select_n3A_601 : vector<16xf32>
          %eq3A_623 = arith.cmpf oeq, %select_n3A_618, %select_n3A_601 : vector<16xf32>
          %lt3A_624 = arith.cmpi slt, %select_n3A_621, %select_n3A_602 : vector<16xi32>
          %and3A_625 = arith.andi %eq3A_623, %lt3A_624 : vector<16xi1>
          %or3A_626 = arith.ori %gt3A_622, %and3A_625 : vector<16xi1>
          %select_n3A_627 = arith.select %or3A_626, %select_n3A_618, %select_n3A_601 : vector<16xi1>, vector<16xf32>
          %select_n3A_628 = arith.select %or3A_626, %select_n3A_621, %select_n3A_602 : vector<16xi1>, vector<16xi32>
          %mul3A_629 = arith.constant 64 : i32
          %mul3A_630 = arith.muli %scan3A_575, %mul3A_629 : i32
          %add3A_631 = arith.constant 32 : i32
          %add3A_632 = arith.addi %mul3A_630, %add3A_631 : i32
          %get3A_633 = arith.index_cast %add3A_632 : i32 to index
          %get3A_634 = tpu.vector_load %arg9[%get3A_633] {strides = array<i32>} : memref<256xf32, #tpu.memory_space<vmem>>, vector<16xf32>,
          %get3A_635 = arith.index_cast %add3A_632 : i32 to index
          %get3A_636 = tpu.vector_load %arg10[%get3A_635] {strides = array<i32>} : memref<256xi32, #tpu.memory_space<vmem>>, vector<16xi32>,
          %lt3A_637 = arith.cmpf olt, %get3A_634, %scan3A_504 : vector<16xf32>
          %eq3A_638 = arith.cmpf oeq, %get3A_634, %scan3A_504 : vector<16xf32>
          %gt3A_639 = arith.cmpi sgt, %get3A_636, %scan3A_505 : vector<16xi32>
          %and3A_640 = arith.andi %eq3A_638, %gt3A_639 : vector<16xi1>
          %or3A_641 = arith.ori %lt3A_637, %and3A_640 : vector<16xi1>
          %jit3A_642 = arith.constant 0xFF800000 : f32
          %broadcast_in_dim3A_643 = vector.broadcast %jit3A_642 : f32 to vector<16xf32>
          %select_n3A_644 = arith.select %or3A_641, %get3A_634, %broadcast_in_dim3A_643 : vector<16xi1>, vector<16xf32>
          %jit3A_645 = arith.constant 4096 : i32
          %broadcast_in_dim3A_646 = vector.broadcast %jit3A_645 : i32 to vector<16xi32>
          %select_n3A_647 = arith.select %or3A_641, %get3A_636, %broadcast_in_dim3A_646 : vector<16xi1>, vector<16xi32>
          %gt3A_648 = arith.cmpf ogt, %select_n3A_644, %select_n3A_627 : vector<16xf32>
          %eq3A_649 = arith.cmpf oeq, %select_n3A_644, %select_n3A_627 : vector<16xf32>
          %lt3A_650 = arith.cmpi slt, %select_n3A_647, %select_n3A_628 : vector<16xi32>
          %and3A_651 = arith.andi %eq3A_649, %lt3A_650 : vector<16xi1>
          %or3A_652 = arith.ori %gt3A_648, %and3A_651 : vector<16xi1>
          %select_n3A_653 = arith.select %or3A_652, %select_n3A_644, %select_n3A_627 : vector<16xi1>, vector<16xf32>
          %select_n3A_654 = arith.select %or3A_652, %select_n3A_647, %select_n3A_628 : vector<16xi1>, vector<16xi32>
          %mul3A_655 = arith.constant 64 : i32
          %mul3A_656 = arith.muli %scan3A_575, %mul3A_655 : i32
          %add3A_657 = arith.constant 48 : i32
          %add3A_658 = arith.addi %mul3A_656, %add3A_657 : i32
          %get3A_659 = arith.index_cast %add3A_658 : i32 to index
          %get3A_660 = tpu.vector_load %arg9[%get3A_659] {strides = array<i32>} : memref<256xf32, #tpu.memory_space<vmem>>, vector<16xf32>,
          %get3A_661 = arith.index_cast %add3A_658 : i32 to index
          %get3A_662 = tpu.vector_load %arg10[%get3A_661] {strides = array<i32>} : memref<256xi32, #tpu.memory_space<vmem>>, vector<16xi32>,
          %lt3A_663 = arith.cmpf olt, %get3A_660, %scan3A_504 : vector<16xf32>
          %eq3A_664 = arith.cmpf oeq, %get3A_660, %scan3A_504 : vector<16xf32>
          %gt3A_665 = arith.cmpi sgt, %get3A_662, %scan3A_505 : vector<16xi32>
          %and3A_666 = arith.andi %eq3A_664, %gt3A_665 : vector<16xi1>
          %or3A_667 = arith.ori %lt3A_663, %and3A_666 : vector<16xi1>
          %jit3A_668 = arith.constant 0xFF800000 : f32
          %broadcast_in_dim3A_669 = vector.broadcast %jit3A_668 : f32 to vector<16xf32>
          %select_n3A_670 = arith.select %or3A_667, %get3A_660, %broadcast_in_dim3A_669 : vector<16xi1>, vector<16xf32>
          %jit3A_671 = arith.constant 4096 : i32
          %broadcast_in_dim3A_672 = vector.broadcast %jit3A_671 : i32 to vector<16xi32>
          %select_n3A_673 = arith.select %or3A_667, %get3A_662, %broadcast_in_dim3A_672 : vector<16xi1>, vector<16xi32>
          %gt3A_674 = arith.cmpf ogt, %select_n3A_670, %select_n3A_653 : vector<16xf32>
          %eq3A_675 = arith.cmpf oeq, %select_n3A_670, %select_n3A_653 : vector<16xf32>
          %lt3A_676 = arith.cmpi slt, %select_n3A_673, %select_n3A_654 : vector<16xi32>
          %and3A_677 = arith.andi %eq3A_675, %lt3A_676 : vector<16xi1>
          %or3A_678 = arith.ori %gt3A_674, %and3A_677 : vector<16xi1>
          %select_n3A_679 = arith.select %or3A_678, %select_n3A_670, %select_n3A_653 : vector<16xi1>, vector<16xf32>
          %select_n3A_680 = arith.select %or3A_678, %select_n3A_673, %select_n3A_654 : vector<16xi1>, vector<16xi32>
          scf.yield %select_n3A_679, %select_n3A_680 : vector<16xf32>, vector<16xi32>
        }
        %scan3A_511 = arith.constant 4 : i32
        %xor3A_512 = arith.constant 1 : i32
        %xor3A_513 = vector.broadcast %xor3A_512 : i32 to vector<16xi32>
        %xor3A_514 = arith.xori %iota3A, %xor3A_513 : vector<16xi32>
        %reshape3A_515 = vector.shape_cast %xor3A_514 : vector<16xi32> to vector<16x1xi32>
        %gather3A_516 = vector.shape_cast %reshape3A_515 : vector<16x1xi32> to vector<16xi32>
        %gather3A_517 = tpu.dynamic_gather %scan3A_510#0[%gather3A_516] in [0] : vector<16xf32>, vector<16xi32> -> vector<16xf32>
        %max3A_518 = arith.maximumf %scan3A_510#0, %gather3A_517 : vector<16xf32>
        %xor3A_519 = arith.constant 2 : i32
        %xor3A_520 = vector.broadcast %xor3A_519 : i32 to vector<16xi32>
        %xor3A_521 = arith.xori %iota3A, %xor3A_520 : vector<16xi32>
        %reshape3A_522 = vector.shape_cast %xor3A_521 : vector<16xi32> to vector<16x1xi32>
        %gather3A_523 = vector.shape_cast %reshape3A_522 : vector<16x1xi32> to vector<16xi32>
        %gather3A_524 = tpu.dynamic_gather %max3A_518[%gather3A_523] in [0] : vector<16xf32>, vector<16xi32> -> vector<16xf32>
        %max3A_525 = arith.maximumf %max3A_518, %gather3A_524 : vector<16xf32>
        %xor3A_526 = arith.constant 4 : i32
        %xor3A_527 = vector.broadcast %xor3A_526 : i32 to vector<16xi32>
        %xor3A_528 = arith.xori %iota3A, %xor3A_527 : vector<16xi32>
        %reshape3A_529 = vector.shape_cast %xor3A_528 : vector<16xi32> to vector<16x1xi32>
        %gather3A_530 = vector.shape_cast %reshape3A_529 : vector<16x1xi32> to vector<16xi32>
        %gather3A_531 = tpu.dynamic_gather %max3A_525[%gather3A_530] in [0] : vector<16xf32>, vector<16xi32> -> vector<16xf32>
        %max3A_532 = arith.maximumf %max3A_525, %gather3A_531 : vector<16xf32>
        %xor3A_533 = arith.constant 8 : i32
        %xor3A_534 = vector.broadcast %xor3A_533 : i32 to vector<16xi32>
        %xor3A_535 = arith.xori %iota3A, %xor3A_534 : vector<16xi32>
        %reshape3A_536 = vector.shape_cast %xor3A_535 : vector<16xi32> to vector<16x1xi32>
        %gather3A_537 = vector.shape_cast %reshape3A_536 : vector<16x1xi32> to vector<16xi32>
        %gather3A_538 = tpu.dynamic_gather %max3A_532[%gather3A_537] in [0] : vector<16xf32>, vector<16xi32> -> vector<16xf32>
        %max3A_539 = arith.maximumf %max3A_532, %gather3A_538 : vector<16xf32>
        %eq3A_540 = arith.cmpf oeq, %scan3A_510#0, %max3A_539 : vector<16xf32>
        %jit3A_541 = arith.constant 4096 : i32
        %broadcast_in_dim3A_542 = vector.broadcast %jit3A_541 : i32 to vector<16xi32>
        %select_n3A_543 = arith.select %eq3A_540, %scan3A_510#1, %broadcast_in_dim3A_542 : vector<16xi1>, vector<16xi32>
        %xor3A_544 = arith.constant 1 : i32
        %xor3A_545 = vector.broadcast %xor3A_544 : i32 to vector<16xi32>
        %xor3A_546 = arith.xori %iota3A, %xor3A_545 : vector<16xi32>
        %reshape3A_547 = vector.shape_cast %xor3A_546 : vector<16xi32> to vector<16x1xi32>
        %gather3A_548 = vector.shape_cast %reshape3A_547 : vector<16x1xi32> to vector<16xi32>
        %gather3A_549 = tpu.dynamic_gather %select_n3A_543[%gather3A_548] in [0] : vector<16xi32>, vector<16xi32> -> vector<16xi32>
        %min3A_550 = arith.minsi %select_n3A_543, %gather3A_549 : vector<16xi32>
        %xor3A_551 = arith.constant 2 : i32
        %xor3A_552 = vector.broadcast %xor3A_551 : i32 to vector<16xi32>
        %xor3A_553 = arith.xori %iota3A, %xor3A_552 : vector<16xi32>
        %reshape3A_554 = vector.shape_cast %xor3A_553 : vector<16xi32> to vector<16x1xi32>
        %gather3A_555 = vector.shape_cast %reshape3A_554 : vector<16x1xi32> to vector<16xi32>
        %gather3A_556 = tpu.dynamic_gather %min3A_550[%gather3A_555] in [0] : vector<16xi32>, vector<16xi32> -> vector<16xi32>
        %min3A_557 = arith.minsi %min3A_550, %gather3A_556 : vector<16xi32>
        %xor3A_558 = arith.constant 4 : i32
        %xor3A_559 = vector.broadcast %xor3A_558 : i32 to vector<16xi32>
        %xor3A_560 = arith.xori %iota3A, %xor3A_559 : vector<16xi32>
        %reshape3A_561 = vector.shape_cast %xor3A_560 : vector<16xi32> to vector<16x1xi32>
        %gather3A_562 = vector.shape_cast %reshape3A_561 : vector<16x1xi32> to vector<16xi32>
        %gather3A_563 = tpu.dynamic_gather %min3A_557[%gather3A_562] in [0] : vector<16xi32>, vector<16xi32> -> vector<16xi32>
        %min3A_564 = arith.minsi %min3A_557, %gather3A_563 : vector<16xi32>
        %xor3A_565 = arith.constant 8 : i32
        %xor3A_566 = vector.broadcast %xor3A_565 : i32 to vector<16xi32>
        %xor3A_567 = arith.xori %iota3A, %xor3A_566 : vector<16xi32>
        %reshape3A_568 = vector.shape_cast %xor3A_567 : vector<16xi32> to vector<16x1xi32>
        %gather3A_569 = vector.shape_cast %reshape3A_568 : vector<16x1xi32> to vector<16xi32>
        %gather3A_570 = tpu.dynamic_gather %min3A_564[%gather3A_569] in [0] : vector<16xi32>, vector<16xi32> -> vector<16xi32>
        %min3A_571 = arith.minsi %min3A_564, %gather3A_570 : vector<16xi32>
        %eq3A_572 = vector.broadcast %scan3A_502 : i32 to vector<16xi32>
        %eq3A_573 = arith.cmpi eq, %iota3A, %eq3A_572 : vector<16xi32>
        %select_n3A_574 = arith.select %eq3A_573, %min3A_571, %scan3A_503 : vector<16xi1>, vector<16xi32>
        scf.yield %select_n3A_574, %max3A_539, %min3A_571 : vector<16xi32>, vector<16xf32>, vector<16xi32>
      }
      %scan3A_39 = arith.constant 10 : i32
      %jit3A = arith.constant 64 : i32
      %div3A = vector.broadcast %jit3A : i32 to vector<16xi32>
      %div3A_40 = arith.divsi %scan3A_38#0, %div3A : vector<16xi32>
      %sign3A = arith.constant 0 : i32
      %sign3A_41 = vector.broadcast %sign3A : i32 to vector<16xi32>
      %sign3A_42 = arith.cmpi sgt, %scan3A_38#0, %sign3A_41 : vector<16xi32>
      %sign3A_43 = arith.extui %sign3A_42 : vector<16xi1> to vector<16xi32>
      %sign3A_44 = arith.constant 0 : i32
      %sign3A_45 = vector.broadcast %sign3A_44 : i32 to vector<16xi32>
      %sign3A_46 = arith.cmpi slt, %scan3A_38#0, %sign3A_45 : vector<16xi32>
      %sign3A_47 = arith.extui %sign3A_46 : vector<16xi1> to vector<16xi32>
      %sign3A_48 = arith.subi %sign3A_43, %sign3A_47 : vector<16xi32>
      %sign3A_49 = arith.constant 0 : i32
      %sign3A_50 = arith.cmpi sgt, %jit3A, %sign3A_49 : i32
      %sign3A_51 = arith.extui %sign3A_50 : i1 to i32
      %sign3A_52 = arith.constant 0 : i32
      %sign3A_53 = arith.cmpi slt, %jit3A, %sign3A_52 : i32
      %sign3A_54 = arith.extui %sign3A_53 : i1 to i32
      %sign3A_55 = arith.subi %sign3A_51, %sign3A_54 : i32
      %ne3A = vector.broadcast %sign3A_55 : i32 to vector<16xi32>
      %ne3A_56 = arith.cmpi ne, %sign3A_48, %ne3A : vector<16xi32>
      %rem3A = vector.broadcast %jit3A : i32 to vector<16xi32>
      %rem3A_57 = arith.remsi %scan3A_38#0, %rem3A : vector<16xi32>
      %ne3A_58 = arith.constant 0 : i32
      %ne3A_59 = vector.broadcast %ne3A_58 : i32 to vector<16xi32>
      %ne3A_60 = arith.cmpi ne, %rem3A_57, %ne3A_59 : vector<16xi32>
      %and3A_61 = arith.andi %ne3A_56, %ne3A_60 : vector<16xi1>
      %sub3A = arith.constant 1 : i32
      %sub3A_62 = vector.broadcast %sub3A : i32 to vector<16xi32>
      %sub3A_63 = arith.subi %div3A_40, %sub3A_62 : vector<16xi32>
      %select_n3A = arith.select %and3A_61, %sub3A_63, %div3A_40 : vector<16xi1>, vector<16xi32>
      %jit3A_64 = arith.constant 64 : i32
      %eq3A_65 = arith.constant 0 : i32
      %eq3A_66 = arith.cmpi eq, %jit3A_64, %eq3A_65 : i32
      %jit3A_67 = arith.constant 1 : i32
      %select_n3A_68 = arith.select %eq3A_66, %jit3A_67, %jit3A_64 : i32
      %rem3A_69 = vector.broadcast %select_n3A_68 : i32 to vector<16xi32>
      %rem3A_70 = arith.remsi %scan3A_38#0, %rem3A_69 : vector<16xi32>
      %ne3A_71 = arith.constant 0 : i32
      %ne3A_72 = vector.broadcast %ne3A_71 : i32 to vector<16xi32>
      %ne3A_73 = arith.cmpi ne, %rem3A_70, %ne3A_72 : vector<16xi32>
      %lt3A = arith.constant 0 : i32
      %lt3A_74 = vector.broadcast %lt3A : i32 to vector<16xi32>
      %lt3A_75 = arith.cmpi slt, %rem3A_70, %lt3A_74 : vector<16xi32>
      %lt3A_76 = arith.constant 0 : i32
      %lt3A_77 = arith.cmpi slt, %select_n3A_68, %lt3A_76 : i32
      %ne3A_78 = vector.broadcast %lt3A_77 : i1 to vector<16xi1>
      %ne3A_79 = vector.broadcast %ne3A_78 : vector<16xi1> to vector<16xi1>
      %ne3A_80 = arith.xori %lt3A_75, %ne3A_79 : vector<16xi1>
      %and3A_81 = arith.andi %ne3A_80, %ne3A_73 : vector<16xi1>
      %add3A = vector.broadcast %select_n3A_68 : i32 to vector<16xi32>
      %add3A_82 = arith.addi %rem3A_70, %add3A : vector<16xi32>
      %select_n3A_83 = arith.select %and3A_81, %add3A_82, %rem3A_70 : vector<16xi1>, vector<16xi32>
      %convert_element_type3A_84 = arith.sitofp %select_n3A : vector<16xi32> to vector<16xf32>
      %add3A_85 = arith.constant 5.000000e-01 : f32
      %add3A_86 = vector.broadcast %add3A_85 : f32 to vector<16xf32>
      %add3A_87 = arith.addf %convert_element_type3A_84, %add3A_86 : vector<16xf32>
      %div3A_88 = arith.constant 6.400000e+01 : f32
      %div3A_89 = vector.broadcast %div3A_88 : f32 to vector<16xf32>
      %div3A_90 = arith.divf %add3A_87, %div3A_89 : vector<16xf32>
      %convert_element_type3A_91 = arith.sitofp %select_n3A_83 : vector<16xi32> to vector<16xf32>
      %add3A_92 = arith.constant 5.000000e-01 : f32
      %add3A_93 = vector.broadcast %add3A_92 : f32 to vector<16xf32>
      %add3A_94 = arith.addf %convert_element_type3A_91, %add3A_93 : vector<16xf32>
      %div3A_95 = arith.constant 6.400000e+01 : f32
      %div3A_96 = vector.broadcast %div3A_95 : f32 to vector<16xf32>
      %div3A_97 = arith.divf %add3A_94, %div3A_96 : vector<16xf32>
      %gather3A = tpu.vector_load_idx %arg8[%scan3A_38#0] : memref<4096xf32, #tpu.memory_space<vmem>>[vector<16xi32>], vector<16xf32>,
      %get3A = arith.constant 480 : index
      %get3A_98 = tpu.vector_load %arg11[%get3A] {strides = array<i32>} : memref<496xf32, #tpu.memory_space<vmem>>, vector<16xf32>,
      %broadcast_in_dim3A_99 = arith.constant 0 : i32
      %broadcast_in_dim3A_100 = vector.broadcast %broadcast_in_dim3A_99 : i32 to vector<16xi32>
      %reshape3A = vector.shape_cast %broadcast_in_dim3A_100 : vector<16xi32> to vector<16x1xi32>
      %gather3A_101 = vector.shape_cast %reshape3A : vector<16x1xi32> to vector<16xi32>
      %gather3A_102 = tpu.dynamic_gather %div3A_90[%gather3A_101] in [0] : vector<16xf32>, vector<16xi32> -> vector<16xf32>
      %get3A_103 = arith.constant 0 : index
      %get3A_104 = tpu.vector_load %arg11[%get3A_103] {strides = array<i32>} : memref<496xf32, #tpu.memory_space<vmem>>, vector<16xf32>,
      %mul3A_105 = arith.mulf %gather3A_102, %get3A_104 : vector<16xf32>
      %add3A_106 = arith.addf %get3A_98, %mul3A_105 : vector<16xf32>
      %broadcast_in_dim3A_107 = arith.constant 0 : i32
      %broadcast_in_dim3A_108 = vector.broadcast %broadcast_in_dim3A_107 : i32 to vector<16xi32>
      %reshape3A_109 = vector.shape_cast %broadcast_in_dim3A_108 : vector<16xi32> to vector<16x1xi32>
      %gather3A_110 = vector.shape_cast %reshape3A_109 : vector<16x1xi32> to vector<16xi32>
      %gather3A_111 = tpu.dynamic_gather %div3A_97[%gather3A_110] in [0] : vector<16xf32>, vector<16xi32> -> vector<16xf32>
      %get3A_112 = arith.constant 16 : index
      %get3A_113 = tpu.vector_load %arg11[%get3A_112] {strides = array<i32>} : memref<496xf32, #tpu.memory_space<vmem>>, vector<16xf32>,
      %mul3A_114 = arith.mulf %gather3A_111, %get3A_113 : vector<16xf32>
      %add3A_115 = arith.addf %add3A_106, %mul3A_114 : vector<16xf32>
      %broadcast_in_dim3A_116 = arith.constant 0 : i32
      %broadcast_in_dim3A_117 = vector.broadcast %broadcast_in_dim3A_116 : i32 to vector<16xi32>
      %reshape3A_118 = vector.shape_cast %broadcast_in_dim3A_117 : vector<16xi32> to vector<16x1xi32>
      %gather3A_119 = vector.shape_cast %reshape3A_118 : vector<16x1xi32> to vector<16xi32>
      %gather3A_120 = tpu.dynamic_gather %gather3A[%gather3A_119] in [0] : vector<16xf32>, vector<16xi32> -> vector<16xf32>
      %get3A_121 = arith.constant 32 : index
      %get3A_122 = tpu.vector_load %arg11[%get3A_121] {strides = array<i32>} : memref<496xf32, #tpu.memory_space<vmem>>, vector<16xf32>,
      %mul3A_123 = arith.mulf %gather3A_120, %get3A_122 : vector<16xf32>
      %add3A_124 = arith.addf %add3A_115, %mul3A_123 : vector<16xf32>
      %broadcast_in_dim3A_125 = arith.constant 1 : i32
      %broadcast_in_dim3A_126 = vector.broadcast %broadcast_in_dim3A_125 : i32 to vector<16xi32>
      %reshape3A_127 = vector.shape_cast %broadcast_in_dim3A_126 : vector<16xi32> to vector<16x1xi32>
      %gather3A_128 = vector.shape_cast %reshape3A_127 : vector<16x1xi32> to vector<16xi32>
      %gather3A_129 = tpu.dynamic_gather %div3A_90[%gather3A_128] in [0] : vector<16xf32>, vector<16xi32> -> vector<16xf32>
      %get3A_130 = arith.constant 48 : index
      %get3A_131 = tpu.vector_load %arg11[%get3A_130] {strides = array<i32>} : memref<496xf32, #tpu.memory_space<vmem>>, vector<16xf32>,
      %mul3A_132 = arith.mulf %gather3A_129, %get3A_131 : vector<16xf32>
      %add3A_133 = arith.addf %add3A_124, %mul3A_132 : vector<16xf32>
      %broadcast_in_dim3A_134 = arith.constant 1 : i32
      %broadcast_in_dim3A_135 = vector.broadcast %broadcast_in_dim3A_134 : i32 to vector<16xi32>
      %reshape3A_136 = vector.shape_cast %broadcast_in_dim3A_135 : vector<16xi32> to vector<16x1xi32>
      %gather3A_137 = vector.shape_cast %reshape3A_136 : vector<16x1xi32> to vector<16xi32>
      %gather3A_138 = tpu.dynamic_gather %div3A_97[%gather3A_137] in [0] : vector<16xf32>, vector<16xi32> -> vector<16xf32>
      %get3A_139 = arith.constant 64 : index
      %get3A_140 = tpu.vector_load %arg11[%get3A_139] {strides = array<i32>} : memref<496xf32, #tpu.memory_space<vmem>>, vector<16xf32>,
      %mul3A_141 = arith.mulf %gather3A_138, %get3A_140 : vector<16xf32>
      %add3A_142 = arith.addf %add3A_133, %mul3A_141 : vector<16xf32>
      %broadcast_in_dim3A_143 = arith.constant 1 : i32
      %broadcast_in_dim3A_144 = vector.broadcast %broadcast_in_dim3A_143 : i32 to vector<16xi32>
      %reshape3A_145 = vector.shape_cast %broadcast_in_dim3A_144 : vector<16xi32> to vector<16x1xi32>
      %gather3A_146 = vector.shape_cast %reshape3A_145 : vector<16x1xi32> to vector<16xi32>
      %gather3A_147 = tpu.dynamic_gather %gather3A[%gather3A_146] in [0] : vector<16xf32>, vector<16xi32> -> vector<16xf32>
      %get3A_148 = arith.constant 80 : index
      %get3A_149 = tpu.vector_load %arg11[%get3A_148] {strides = array<i32>} : memref<496xf32, #tpu.memory_space<vmem>>, vector<16xf32>,
      %mul3A_150 = arith.mulf %gather3A_147, %get3A_149 : vector<16xf32>
      %add3A_151 = arith.addf %add3A_142, %mul3A_150 : vector<16xf32>
      %broadcast_in_dim3A_152 = arith.constant 2 : i32
      %broadcast_in_dim3A_153 = vector.broadcast %broadcast_in_dim3A_152 : i32 to vector<16xi32>
      %reshape3A_154 = vector.shape_cast %broadcast_in_dim3A_153 : vector<16xi32> to vector<16x1xi32>
      %gather3A_155 = vector.shape_cast %reshape3A_154 : vector<16x1xi32> to vector<16xi32>
      %gather3A_156 = tpu.dynamic_gather %div3A_90[%gather3A_155] in [0] : vector<16xf32>, vector<16xi32> -> vector<16xf32>
      %get3A_157 = arith.constant 96 : index
      %get3A_158 = tpu.vector_load %arg11[%get3A_157] {strides = array<i32>} : memref<496xf32, #tpu.memory_space<vmem>>, vector<16xf32>,
      %mul3A_159 = arith.mulf %gather3A_156, %get3A_158 : vector<16xf32>
      %add3A_160 = arith.addf %add3A_151, %mul3A_159 : vector<16xf32>
      %broadcast_in_dim3A_161 = arith.constant 2 : i32
      %broadcast_in_dim3A_162 = vector.broadcast %broadcast_in_dim3A_161 : i32 to vector<16xi32>
      %reshape3A_163 = vector.shape_cast %broadcast_in_dim3A_162 : vector<16xi32> to vector<16x1xi32>
      %gather3A_164 = vector.shape_cast %reshape3A_163 : vector<16x1xi32> to vector<16xi32>
      %gather3A_165 = tpu.dynamic_gather %div3A_97[%gather3A_164] in [0] : vector<16xf32>, vector<16xi32> -> vector<16xf32>
      %get3A_166 = arith.constant 112 : index
      %get3A_167 = tpu.vector_load %arg11[%get3A_166] {strides = array<i32>} : memref<496xf32, #tpu.memory_space<vmem>>, vector<16xf32>,
      %mul3A_168 = arith.mulf %gather3A_165, %get3A_167 : vector<16xf32>
      %add3A_169 = arith.addf %add3A_160, %mul3A_168 : vector<16xf32>
      %broadcast_in_dim3A_170 = arith.constant 2 : i32
      %broadcast_in_dim3A_171 = vector.broadcast %broadcast_in_dim3A_170 : i32 to vector<16xi32>
      %reshape3A_172 = vector.shape_cast %broadcast_in_dim3A_171 : vector<16xi32> to vector<16x1xi32>
      %gather3A_173 = vector.shape_cast %reshape3A_172 : vector<16x1xi32> to vector<16xi32>
      %gather3A_174 = tpu.dynamic_gather %gather3A[%gather3A_173] in [0] : vector<16xf32>, vector<16xi32> -> vector<16xf32>
      %get3A_175 = arith.constant 128 : index
      %get3A_176 = tpu.vector_load %arg11[%get3A_175] {strides = array<i32>} : memref<496xf32, #tpu.memory_space<vmem>>, vector<16xf32>,
      %mul3A_177 = arith.mulf %gather3A_174, %get3A_176 : vector<16xf32>
      %add3A_178 = arith.addf %add3A_169, %mul3A_177 : vector<16xf32>
      %broadcast_in_dim3A_179 = arith.constant 3 : i32
      %broadcast_in_dim3A_180 = vector.broadcast %broadcast_in_dim3A_179 : i32 to vector<16xi32>
      %reshape3A_181 = vector.shape_cast %broadcast_in_dim3A_180 : vector<16xi32> to vector<16x1xi32>
      %gather3A_182 = vector.shape_cast %reshape3A_181 : vector<16x1xi32> to vector<16xi32>
      %gather3A_183 = tpu.dynamic_gather %div3A_90[%gather3A_182] in [0] : vector<16xf32>, vector<16xi32> -> vector<16xf32>
      %get3A_184 = arith.constant 144 : index
      %get3A_185 = tpu.vector_load %arg11[%get3A_184] {strides = array<i32>} : memref<496xf32, #tpu.memory_space<vmem>>, vector<16xf32>,
      %mul3A_186 = arith.mulf %gather3A_183, %get3A_185 : vector<16xf32>
      %add3A_187 = arith.addf %add3A_178, %mul3A_186 : vector<16xf32>
      %broadcast_in_dim3A_188 = arith.constant 3 : i32
      %broadcast_in_dim3A_189 = vector.broadcast %broadcast_in_dim3A_188 : i32 to vector<16xi32>
      %reshape3A_190 = vector.shape_cast %broadcast_in_dim3A_189 : vector<16xi32> to vector<16x1xi32>
      %gather3A_191 = vector.shape_cast %reshape3A_190 : vector<16x1xi32> to vector<16xi32>
      %gather3A_192 = tpu.dynamic_gather %div3A_97[%gather3A_191] in [0] : vector<16xf32>, vector<16xi32> -> vector<16xf32>
      %get3A_193 = arith.constant 160 : index
      %get3A_194 = tpu.vector_load %arg11[%get3A_193] {strides = array<i32>} : memref<496xf32, #tpu.memory_space<vmem>>, vector<16xf32>,
      %mul3A_195 = arith.mulf %gather3A_192, %get3A_194 : vector<16xf32>
      %add3A_196 = arith.addf %add3A_187, %mul3A_195 : vector<16xf32>
      %broadcast_in_dim3A_197 = arith.constant 3 : i32
      %broadcast_in_dim3A_198 = vector.broadcast %broadcast_in_dim3A_197 : i32 to vector<16xi32>
      %reshape3A_199 = vector.shape_cast %broadcast_in_dim3A_198 : vector<16xi32> to vector<16x1xi32>
      %gather3A_200 = vector.shape_cast %reshape3A_199 : vector<16x1xi32> to vector<16xi32>
      %gather3A_201 = tpu.dynamic_gather %gather3A[%gather3A_200] in [0] : vector<16xf32>, vector<16xi32> -> vector<16xf32>
      %get3A_202 = arith.constant 176 : index
      %get3A_203 = tpu.vector_load %arg11[%get3A_202] {strides = array<i32>} : memref<496xf32, #tpu.memory_space<vmem>>, vector<16xf32>,
      %mul3A_204 = arith.mulf %gather3A_201, %get3A_203 : vector<16xf32>
      %add3A_205 = arith.addf %add3A_196, %mul3A_204 : vector<16xf32>
      %broadcast_in_dim3A_206 = arith.constant 4 : i32
      %broadcast_in_dim3A_207 = vector.broadcast %broadcast_in_dim3A_206 : i32 to vector<16xi32>
      %reshape3A_208 = vector.shape_cast %broadcast_in_dim3A_207 : vector<16xi32> to vector<16x1xi32>
      %gather3A_209 = vector.shape_cast %reshape3A_208 : vector<16x1xi32> to vector<16xi32>
      %gather3A_210 = tpu.dynamic_gather %div3A_90[%gather3A_209] in [0] : vector<16xf32>, vector<16xi32> -> vector<16xf32>
      %get3A_211 = arith.constant 192 : index
      %get3A_212 = tpu.vector_load %arg11[%get3A_211] {strides = array<i32>} : memref<496xf32, #tpu.memory_space<vmem>>, vector<16xf32>,
      %mul3A_213 = arith.mulf %gather3A_210, %get3A_212 : vector<16xf32>
      %add3A_214 = arith.addf %add3A_205, %mul3A_213 : vector<16xf32>
      %broadcast_in_dim3A_215 = arith.constant 4 : i32
      %broadcast_in_dim3A_216 = vector.broadcast %broadcast_in_dim3A_215 : i32 to vector<16xi32>
      %reshape3A_217 = vector.shape_cast %broadcast_in_dim3A_216 : vector<16xi32> to vector<16x1xi32>
      %gather3A_218 = vector.shape_cast %reshape3A_217 : vector<16x1xi32> to vector<16xi32>
      %gather3A_219 = tpu.dynamic_gather %div3A_97[%gather3A_218] in [0] : vector<16xf32>, vector<16xi32> -> vector<16xf32>
      %get3A_220 = arith.constant 208 : index
      %get3A_221 = tpu.vector_load %arg11[%get3A_220] {strides = array<i32>} : memref<496xf32, #tpu.memory_space<vmem>>, vector<16xf32>,
      %mul3A_222 = arith.mulf %gather3A_219, %get3A_221 : vector<16xf32>
      %add3A_223 = arith.addf %add3A_214, %mul3A_222 : vector<16xf32>
      %broadcast_in_dim3A_224 = arith.constant 4 : i32
      %broadcast_in_dim3A_225 = vector.broadcast %broadcast_in_dim3A_224 : i32 to vector<16xi32>
      %reshape3A_226 = vector.shape_cast %broadcast_in_dim3A_225 : vector<16xi32> to vector<16x1xi32>
      %gather3A_227 = vector.shape_cast %reshape3A_226 : vector<16x1xi32> to vector<16xi32>
      %gather3A_228 = tpu.dynamic_gather %gather3A[%gather3A_227] in [0] : vector<16xf32>, vector<16xi32> -> vector<16xf32>
      %get3A_229 = arith.constant 224 : index
      %get3A_230 = tpu.vector_load %arg11[%get3A_229] {strides = array<i32>} : memref<496xf32, #tpu.memory_space<vmem>>, vector<16xf32>,
      %mul3A_231 = arith.mulf %gather3A_228, %get3A_230 : vector<16xf32>
      %add3A_232 = arith.addf %add3A_223, %mul3A_231 : vector<16xf32>
      %broadcast_in_dim3A_233 = arith.constant 5 : i32
      %broadcast_in_dim3A_234 = vector.broadcast %broadcast_in_dim3A_233 : i32 to vector<16xi32>
      %reshape3A_235 = vector.shape_cast %broadcast_in_dim3A_234 : vector<16xi32> to vector<16x1xi32>
      %gather3A_236 = vector.shape_cast %reshape3A_235 : vector<16x1xi32> to vector<16xi32>
      %gather3A_237 = tpu.dynamic_gather %div3A_90[%gather3A_236] in [0] : vector<16xf32>, vector<16xi32> -> vector<16xf32>
      %get3A_238 = arith.constant 240 : index
      %get3A_239 = tpu.vector_load %arg11[%get3A_238] {strides = array<i32>} : memref<496xf32, #tpu.memory_space<vmem>>, vector<16xf32>,
      %mul3A_240 = arith.mulf %gather3A_237, %get3A_239 : vector<16xf32>
      %add3A_241 = arith.addf %add3A_232, %mul3A_240 : vector<16xf32>
      %broadcast_in_dim3A_242 = arith.constant 5 : i32
      %broadcast_in_dim3A_243 = vector.broadcast %broadcast_in_dim3A_242 : i32 to vector<16xi32>
      %reshape3A_244 = vector.shape_cast %broadcast_in_dim3A_243 : vector<16xi32> to vector<16x1xi32>
      %gather3A_245 = vector.shape_cast %reshape3A_244 : vector<16x1xi32> to vector<16xi32>
      %gather3A_246 = tpu.dynamic_gather %div3A_97[%gather3A_245] in [0] : vector<16xf32>, vector<16xi32> -> vector<16xf32>
      %get3A_247 = arith.constant 256 : index
      %get3A_248 = tpu.vector_load %arg11[%get3A_247] {strides = array<i32>} : memref<496xf32, #tpu.memory_space<vmem>>, vector<16xf32>,
      %mul3A_249 = arith.mulf %gather3A_246, %get3A_248 : vector<16xf32>
      %add3A_250 = arith.addf %add3A_241, %mul3A_249 : vector<16xf32>
      %broadcast_in_dim3A_251 = arith.constant 5 : i32
      %broadcast_in_dim3A_252 = vector.broadcast %broadcast_in_dim3A_251 : i32 to vector<16xi32>
      %reshape3A_253 = vector.shape_cast %broadcast_in_dim3A_252 : vector<16xi32> to vector<16x1xi32>
      %gather3A_254 = vector.shape_cast %reshape3A_253 : vector<16x1xi32> to vector<16xi32>
      %gather3A_255 = tpu.dynamic_gather %gather3A[%gather3A_254] in [0] : vector<16xf32>, vector<16xi32> -> vector<16xf32>
      %get3A_256 = arith.constant 272 : index
      %get3A_257 = tpu.vector_load %arg11[%get3A_256] {strides = array<i32>} : memref<496xf32, #tpu.memory_space<vmem>>, vector<16xf32>,
      %mul3A_258 = arith.mulf %gather3A_255, %get3A_257 : vector<16xf32>
      %add3A_259 = arith.addf %add3A_250, %mul3A_258 : vector<16xf32>
      %broadcast_in_dim3A_260 = arith.constant 6 : i32
      %broadcast_in_dim3A_261 = vector.broadcast %broadcast_in_dim3A_260 : i32 to vector<16xi32>
      %reshape3A_262 = vector.shape_cast %broadcast_in_dim3A_261 : vector<16xi32> to vector<16x1xi32>
      %gather3A_263 = vector.shape_cast %reshape3A_262 : vector<16x1xi32> to vector<16xi32>
      %gather3A_264 = tpu.dynamic_gather %div3A_90[%gather3A_263] in [0] : vector<16xf32>, vector<16xi32> -> vector<16xf32>
      %get3A_265 = arith.constant 288 : index
      %get3A_266 = tpu.vector_load %arg11[%get3A_265] {strides = array<i32>} : memref<496xf32, #tpu.memory_space<vmem>>, vector<16xf32>,
      %mul3A_267 = arith.mulf %gather3A_264, %get3A_266 : vector<16xf32>
      %add3A_268 = arith.addf %add3A_259, %mul3A_267 : vector<16xf32>
      %broadcast_in_dim3A_269 = arith.constant 6 : i32
      %broadcast_in_dim3A_270 = vector.broadcast %broadcast_in_dim3A_269 : i32 to vector<16xi32>
      %reshape3A_271 = vector.shape_cast %broadcast_in_dim3A_270 : vector<16xi32> to vector<16x1xi32>
      %gather3A_272 = vector.shape_cast %reshape3A_271 : vector<16x1xi32> to vector<16xi32>
      %gather3A_273 = tpu.dynamic_gather %div3A_97[%gather3A_272] in [0] : vector<16xf32>, vector<16xi32> -> vector<16xf32>
      %get3A_274 = arith.constant 304 : index
      %get3A_275 = tpu.vector_load %arg11[%get3A_274] {strides = array<i32>} : memref<496xf32, #tpu.memory_space<vmem>>, vector<16xf32>,
      %mul3A_276 = arith.mulf %gather3A_273, %get3A_275 : vector<16xf32>
      %add3A_277 = arith.addf %add3A_268, %mul3A_276 : vector<16xf32>
      %broadcast_in_dim3A_278 = arith.constant 6 : i32
      %broadcast_in_dim3A_279 = vector.broadcast %broadcast_in_dim3A_278 : i32 to vector<16xi32>
      %reshape3A_280 = vector.shape_cast %broadcast_in_dim3A_279 : vector<16xi32> to vector<16x1xi32>
      %gather3A_281 = vector.shape_cast %reshape3A_280 : vector<16x1xi32> to vector<16xi32>
      %gather3A_282 = tpu.dynamic_gather %gather3A[%gather3A_281] in [0] : vector<16xf32>, vector<16xi32> -> vector<16xf32>
      %get3A_283 = arith.constant 320 : index
      %get3A_284 = tpu.vector_load %arg11[%get3A_283] {strides = array<i32>} : memref<496xf32, #tpu.memory_space<vmem>>, vector<16xf32>,
      %mul3A_285 = arith.mulf %gather3A_282, %get3A_284 : vector<16xf32>
      %add3A_286 = arith.addf %add3A_277, %mul3A_285 : vector<16xf32>
      %broadcast_in_dim3A_287 = arith.constant 7 : i32
      %broadcast_in_dim3A_288 = vector.broadcast %broadcast_in_dim3A_287 : i32 to vector<16xi32>
      %reshape3A_289 = vector.shape_cast %broadcast_in_dim3A_288 : vector<16xi32> to vector<16x1xi32>
      %gather3A_290 = vector.shape_cast %reshape3A_289 : vector<16x1xi32> to vector<16xi32>
      %gather3A_291 = tpu.dynamic_gather %div3A_90[%gather3A_290] in [0] : vector<16xf32>, vector<16xi32> -> vector<16xf32>
      %get3A_292 = arith.constant 336 : index
      %get3A_293 = tpu.vector_load %arg11[%get3A_292] {strides = array<i32>} : memref<496xf32, #tpu.memory_space<vmem>>, vector<16xf32>,
      %mul3A_294 = arith.mulf %gather3A_291, %get3A_293 : vector<16xf32>
      %add3A_295 = arith.addf %add3A_286, %mul3A_294 : vector<16xf32>
      %broadcast_in_dim3A_296 = arith.constant 7 : i32
      %broadcast_in_dim3A_297 = vector.broadcast %broadcast_in_dim3A_296 : i32 to vector<16xi32>
      %reshape3A_298 = vector.shape_cast %broadcast_in_dim3A_297 : vector<16xi32> to vector<16x1xi32>
      %gather3A_299 = vector.shape_cast %reshape3A_298 : vector<16x1xi32> to vector<16xi32>
      %gather3A_300 = tpu.dynamic_gather %div3A_97[%gather3A_299] in [0] : vector<16xf32>, vector<16xi32> -> vector<16xf32>
      %get3A_301 = arith.constant 352 : index
      %get3A_302 = tpu.vector_load %arg11[%get3A_301] {strides = array<i32>} : memref<496xf32, #tpu.memory_space<vmem>>, vector<16xf32>,
      %mul3A_303 = arith.mulf %gather3A_300, %get3A_302 : vector<16xf32>
      %add3A_304 = arith.addf %add3A_295, %mul3A_303 : vector<16xf32>
      %broadcast_in_dim3A_305 = arith.constant 7 : i32
      %broadcast_in_dim3A_306 = vector.broadcast %broadcast_in_dim3A_305 : i32 to vector<16xi32>
      %reshape3A_307 = vector.shape_cast %broadcast_in_dim3A_306 : vector<16xi32> to vector<16x1xi32>
      %gather3A_308 = vector.shape_cast %reshape3A_307 : vector<16x1xi32> to vector<16xi32>
      %gather3A_309 = tpu.dynamic_gather %gather3A[%gather3A_308] in [0] : vector<16xf32>, vector<16xi32> -> vector<16xf32>
      %get3A_310 = arith.constant 368 : index
      %get3A_311 = tpu.vector_load %arg11[%get3A_310] {strides = array<i32>} : memref<496xf32, #tpu.memory_space<vmem>>, vector<16xf32>,
      %mul3A_312 = arith.mulf %gather3A_309, %get3A_311 : vector<16xf32>
      %add3A_313 = arith.addf %add3A_304, %mul3A_312 : vector<16xf32>
      %broadcast_in_dim3A_314 = arith.constant 8 : i32
      %broadcast_in_dim3A_315 = vector.broadcast %broadcast_in_dim3A_314 : i32 to vector<16xi32>
      %reshape3A_316 = vector.shape_cast %broadcast_in_dim3A_315 : vector<16xi32> to vector<16x1xi32>
      %gather3A_317 = vector.shape_cast %reshape3A_316 : vector<16x1xi32> to vector<16xi32>
      %gather3A_318 = tpu.dynamic_gather %div3A_90[%gather3A_317] in [0] : vector<16xf32>, vector<16xi32> -> vector<16xf32>
      %get3A_319 = arith.constant 384 : index
      %get3A_320 = tpu.vector_load %arg11[%get3A_319] {strides = array<i32>} : memref<496xf32, #tpu.memory_space<vmem>>, vector<16xf32>,
      %mul3A_321 = arith.mulf %gather3A_318, %get3A_320 : vector<16xf32>
      %add3A_322 = arith.addf %add3A_313, %mul3A_321 : vector<16xf32>
      %broadcast_in_dim3A_323 = arith.constant 8 : i32
      %broadcast_in_dim3A_324 = vector.broadcast %broadcast_in_dim3A_323 : i32 to vector<16xi32>
      %reshape3A_325 = vector.shape_cast %broadcast_in_dim3A_324 : vector<16xi32> to vector<16x1xi32>
      %gather3A_326 = vector.shape_cast %reshape3A_325 : vector<16x1xi32> to vector<16xi32>
      %gather3A_327 = tpu.dynamic_gather %div3A_97[%gather3A_326] in [0] : vector<16xf32>, vector<16xi32> -> vector<16xf32>
      %get3A_328 = arith.constant 400 : index
      %get3A_329 = tpu.vector_load %arg11[%get3A_328] {strides = array<i32>} : memref<496xf32, #tpu.memory_space<vmem>>, vector<16xf32>,
      %mul3A_330 = arith.mulf %gather3A_327, %get3A_329 : vector<16xf32>
      %add3A_331 = arith.addf %add3A_322, %mul3A_330 : vector<16xf32>
      %broadcast_in_dim3A_332 = arith.constant 8 : i32
      %broadcast_in_dim3A_333 = vector.broadcast %broadcast_in_dim3A_332 : i32 to vector<16xi32>
      %reshape3A_334 = vector.shape_cast %broadcast_in_dim3A_333 : vector<16xi32> to vector<16x1xi32>
      %gather3A_335 = vector.shape_cast %reshape3A_334 : vector<16x1xi32> to vector<16xi32>
      %gather3A_336 = tpu.dynamic_gather %gather3A[%gather3A_335] in [0] : vector<16xf32>, vector<16xi32> -> vector<16xf32>
      %get3A_337 = arith.constant 416 : index
      %get3A_338 = tpu.vector_load %arg11[%get3A_337] {strides = array<i32>} : memref<496xf32, #tpu.memory_space<vmem>>, vector<16xf32>,
      %mul3A_339 = arith.mulf %gather3A_336, %get3A_338 : vector<16xf32>
      %add3A_340 = arith.addf %add3A_331, %mul3A_339 : vector<16xf32>
      %broadcast_in_dim3A_341 = arith.constant 9 : i32
      %broadcast_in_dim3A_342 = vector.broadcast %broadcast_in_dim3A_341 : i32 to vector<16xi32>
      %reshape3A_343 = vector.shape_cast %broadcast_in_dim3A_342 : vector<16xi32> to vector<16x1xi32>
      %gather3A_344 = vector.shape_cast %reshape3A_343 : vector<16x1xi32> to vector<16xi32>
      %gather3A_345 = tpu.dynamic_gather %div3A_90[%gather3A_344] in [0] : vector<16xf32>, vector<16xi32> -> vector<16xf32>
      %get3A_346 = arith.constant 432 : index
      %get3A_347 = tpu.vector_load %arg11[%get3A_346] {strides = array<i32>} : memref<496xf32, #tpu.memory_space<vmem>>, vector<16xf32>,
      %mul3A_348 = arith.mulf %gather3A_345, %get3A_347 : vector<16xf32>
      %add3A_349 = arith.addf %add3A_340, %mul3A_348 : vector<16xf32>
      %broadcast_in_dim3A_350 = arith.constant 9 : i32
      %broadcast_in_dim3A_351 = vector.broadcast %broadcast_in_dim3A_350 : i32 to vector<16xi32>
      %reshape3A_352 = vector.shape_cast %broadcast_in_dim3A_351 : vector<16xi32> to vector<16x1xi32>
      %gather3A_353 = vector.shape_cast %reshape3A_352 : vector<16x1xi32> to vector<16xi32>
      %gather3A_354 = tpu.dynamic_gather %div3A_97[%gather3A_353] in [0] : vector<16xf32>, vector<16xi32> -> vector<16xf32>
      %get3A_355 = arith.constant 448 : index
      %get3A_356 = tpu.vector_load %arg11[%get3A_355] {strides = array<i32>} : memref<496xf32, #tpu.memory_space<vmem>>, vector<16xf32>,
      %mul3A_357 = arith.mulf %gather3A_354, %get3A_356 : vector<16xf32>
      %add3A_358 = arith.addf %add3A_349, %mul3A_357 : vector<16xf32>
      %broadcast_in_dim3A_359 = arith.constant 9 : i32
      %broadcast_in_dim3A_360 = vector.broadcast %broadcast_in_dim3A_359 : i32 to vector<16xi32>
      %reshape3A_361 = vector.shape_cast %broadcast_in_dim3A_360 : vector<16xi32> to vector<16x1xi32>
      %gather3A_362 = vector.shape_cast %reshape3A_361 : vector<16x1xi32> to vector<16xi32>
      %gather3A_363 = tpu.dynamic_gather %gather3A[%gather3A_362] in [0] : vector<16xf32>, vector<16xi32> -> vector<16xf32>
      %get3A_364 = arith.constant 464 : index
      %get3A_365 = tpu.vector_load %arg11[%get3A_364] {strides = array<i32>} : memref<496xf32, #tpu.memory_space<vmem>>, vector<16xf32>,
      %mul3A_366 = arith.mulf %gather3A_363, %get3A_365 : vector<16xf32>
      %add3A_367 = arith.addf %add3A_358, %mul3A_366 : vector<16xf32>
      %xor3A = arith.constant 1 : i32
      %xor3A_368 = vector.broadcast %xor3A : i32 to vector<16xi32>
      %xor3A_369 = arith.xori %iota3A, %xor3A_368 : vector<16xi32>
      %reshape3A_370 = vector.shape_cast %xor3A_369 : vector<16xi32> to vector<16x1xi32>
      %gather3A_371 = vector.shape_cast %reshape3A_370 : vector<16x1xi32> to vector<16xi32>
      %gather3A_372 = tpu.dynamic_gather %add3A_367[%gather3A_371] in [0] : vector<16xf32>, vector<16xi32> -> vector<16xf32>
      %max3A = arith.maximumf %add3A_367, %gather3A_372 : vector<16xf32>
      %xor3A_373 = arith.constant 2 : i32
      %xor3A_374 = vector.broadcast %xor3A_373 : i32 to vector<16xi32>
      %xor3A_375 = arith.xori %iota3A, %xor3A_374 : vector<16xi32>
      %reshape3A_376 = vector.shape_cast %xor3A_375 : vector<16xi32> to vector<16x1xi32>
      %gather3A_377 = vector.shape_cast %reshape3A_376 : vector<16x1xi32> to vector<16xi32>
      %gather3A_378 = tpu.dynamic_gather %max3A[%gather3A_377] in [0] : vector<16xf32>, vector<16xi32> -> vector<16xf32>
      %max3A_379 = arith.maximumf %max3A, %gather3A_378 : vector<16xf32>
      %xor3A_380 = arith.constant 4 : i32
      %xor3A_381 = vector.broadcast %xor3A_380 : i32 to vector<16xi32>
      %xor3A_382 = arith.xori %iota3A, %xor3A_381 : vector<16xi32>
      %reshape3A_383 = vector.shape_cast %xor3A_382 : vector<16xi32> to vector<16x1xi32>
      %gather3A_384 = vector.shape_cast %reshape3A_383 : vector<16x1xi32> to vector<16xi32>
      %gather3A_385 = tpu.dynamic_gather %max3A_379[%gather3A_384] in [0] : vector<16xf32>, vector<16xi32> -> vector<16xf32>
      %max3A_386 = arith.maximumf %max3A_379, %gather3A_385 : vector<16xf32>
      %xor3A_387 = arith.constant 8 : i32
      %xor3A_388 = vector.broadcast %xor3A_387 : i32 to vector<16xi32>
      %xor3A_389 = arith.xori %iota3A, %xor3A_388 : vector<16xi32>
      %reshape3A_390 = vector.shape_cast %xor3A_389 : vector<16xi32> to vector<16x1xi32>
      %gather3A_391 = vector.shape_cast %reshape3A_390 : vector<16x1xi32> to vector<16xi32>
      %gather3A_392 = tpu.dynamic_gather %max3A_386[%gather3A_391] in [0] : vector<16xf32>, vector<16xi32> -> vector<16xf32>
      %max3A_393 = arith.maximumf %max3A_386, %gather3A_392 : vector<16xf32>
      %lt3A_394 = arith.constant 15 : i32
      %lt3A_395 = vector.broadcast %lt3A_394 : i32 to vector<16xi32>
      %lt3A_396 = arith.cmpi slt, %iota3A, %lt3A_395 : vector<16xi32>
      %sub3A_397 = arith.subf %add3A_367, %max3A_393 : vector<16xf32>
      %exp3A = math.exp %sub3A_397 : vector<16xf32>
      %jit3A_398 = arith.constant 0.000000e+00 : f32
      %broadcast_in_dim3A_399 = vector.broadcast %jit3A_398 : f32 to vector<16xf32>
      %select_n3A_400 = arith.select %lt3A_396, %exp3A, %broadcast_in_dim3A_399 : vector<16xi1>, vector<16xf32>
      %xor3A_401 = arith.constant 1 : i32
      %xor3A_402 = vector.broadcast %xor3A_401 : i32 to vector<16xi32>
      %xor3A_403 = arith.xori %iota3A, %xor3A_402 : vector<16xi32>
      %reshape3A_404 = vector.shape_cast %xor3A_403 : vector<16xi32> to vector<16x1xi32>
      %gather3A_405 = vector.shape_cast %reshape3A_404 : vector<16x1xi32> to vector<16xi32>
      %gather3A_406 = tpu.dynamic_gather %select_n3A_400[%gather3A_405] in [0] : vector<16xf32>, vector<16xi32> -> vector<16xf32>
      %add3A_407 = arith.addf %select_n3A_400, %gather3A_406 : vector<16xf32>
      %xor3A_408 = arith.constant 2 : i32
      %xor3A_409 = vector.broadcast %xor3A_408 : i32 to vector<16xi32>
      %xor3A_410 = arith.xori %iota3A, %xor3A_409 : vector<16xi32>
      %reshape3A_411 = vector.shape_cast %xor3A_410 : vector<16xi32> to vector<16x1xi32>
      %gather3A_412 = vector.shape_cast %reshape3A_411 : vector<16x1xi32> to vector<16xi32>
      %gather3A_413 = tpu.dynamic_gather %add3A_407[%gather3A_412] in [0] : vector<16xf32>, vector<16xi32> -> vector<16xf32>
      %add3A_414 = arith.addf %add3A_407, %gather3A_413 : vector<16xf32>
      %xor3A_415 = arith.constant 4 : i32
      %xor3A_416 = vector.broadcast %xor3A_415 : i32 to vector<16xi32>
      %xor3A_417 = arith.xori %iota3A, %xor3A_416 : vector<16xi32>
      %reshape3A_418 = vector.shape_cast %xor3A_417 : vector<16xi32> to vector<16x1xi32>
      %gather3A_419 = vector.shape_cast %reshape3A_418 : vector<16x1xi32> to vector<16xi32>
      %gather3A_420 = tpu.dynamic_gather %add3A_414[%gather3A_419] in [0] : vector<16xf32>, vector<16xi32> -> vector<16xf32>
      %add3A_421 = arith.addf %add3A_414, %gather3A_420 : vector<16xf32>
      %xor3A_422 = arith.constant 8 : i32
      %xor3A_423 = vector.broadcast %xor3A_422 : i32 to vector<16xi32>
      %xor3A_424 = arith.xori %iota3A, %xor3A_423 : vector<16xi32>
      %reshape3A_425 = vector.shape_cast %xor3A_424 : vector<16xi32> to vector<16x1xi32>
      %gather3A_426 = vector.shape_cast %reshape3A_425 : vector<16x1xi32> to vector<16xi32>
      %gather3A_427 = tpu.dynamic_gather %add3A_421[%gather3A_426] in [0] : vector<16xf32>, vector<16xi32> -> vector<16xf32>
      %add3A_428 = arith.addf %add3A_421, %gather3A_427 : vector<16xf32>
      %div3A_429 = arith.divf %select_n3A_400, %add3A_428 : vector<16xf32>
      %xor3A_430 = arith.constant 1 : i32
      %xor3A_431 = vector.broadcast %xor3A_430 : i32 to vector<16xi32>
      %xor3A_432 = arith.xori %iota3A, %xor3A_431 : vector<16xi32>
      %reshape3A_433 = vector.shape_cast %xor3A_432 : vector<16xi32> to vector<16x1xi32>
      %gather3A_434 = vector.shape_cast %reshape3A_433 : vector<16x1xi32> to vector<16xi32>
      %gather3A_435 = tpu.dynamic_gather %div3A_429[%gather3A_434] in [0] : vector<16xf32>, vector<16xi32> -> vector<16xf32>
      %max3A_436 = arith.maximumf %div3A_429, %gather3A_435 : vector<16xf32>
      %xor3A_437 = arith.constant 2 : i32
      %xor3A_438 = vector.broadcast %xor3A_437 : i32 to vector<16xi32>
      %xor3A_439 = arith.xori %iota3A, %xor3A_438 : vector<16xi32>
      %reshape3A_440 = vector.shape_cast %xor3A_439 : vector<16xi32> to vector<16x1xi32>
      %gather3A_441 = vector.shape_cast %reshape3A_440 : vector<16x1xi32> to vector<16xi32>
      %gather3A_442 = tpu.dynamic_gather %max3A_436[%gather3A_441] in [0] : vector<16xf32>, vector<16xi32> -> vector<16xf32>
      %max3A_443 = arith.maximumf %max3A_436, %gather3A_442 : vector<16xf32>
      %xor3A_444 = arith.constant 4 : i32
      %xor3A_445 = vector.broadcast %xor3A_444 : i32 to vector<16xi32>
      %xor3A_446 = arith.xori %iota3A, %xor3A_445 : vector<16xi32>
      %reshape3A_447 = vector.shape_cast %xor3A_446 : vector<16xi32> to vector<16x1xi32>
      %gather3A_448 = vector.shape_cast %reshape3A_447 : vector<16x1xi32> to vector<16xi32>
      %gather3A_449 = tpu.dynamic_gather %max3A_443[%gather3A_448] in [0] : vector<16xf32>, vector<16xi32> -> vector<16xf32>
      %max3A_450 = arith.maximumf %max3A_443, %gather3A_449 : vector<16xf32>
      %xor3A_451 = arith.constant 8 : i32
      %xor3A_452 = vector.broadcast %xor3A_451 : i32 to vector<16xi32>
      %xor3A_453 = arith.xori %iota3A, %xor3A_452 : vector<16xi32>
      %reshape3A_454 = vector.shape_cast %xor3A_453 : vector<16xi32> to vector<16x1xi32>
      %gather3A_455 = vector.shape_cast %reshape3A_454 : vector<16x1xi32> to vector<16xi32>
      %gather3A_456 = tpu.dynamic_gather %max3A_450[%gather3A_455] in [0] : vector<16xf32>, vector<16xi32> -> vector<16xf32>
      %max3A_457 = arith.maximumf %max3A_450, %gather3A_456 : vector<16xf32>
      %eq3A_458 = arith.cmpf oeq, %div3A_429, %max3A_457 : vector<16xf32>
      %jit3A_459 = arith.constant 99 : i32
      %broadcast_in_dim3A_460 = vector.broadcast %jit3A_459 : i32 to vector<16xi32>
      %select_n3A_461 = arith.select %eq3A_458, %iota3A, %broadcast_in_dim3A_460 : vector<16xi1>, vector<16xi32>
      %xor3A_462 = arith.constant 1 : i32
      %xor3A_463 = vector.broadcast %xor3A_462 : i32 to vector<16xi32>
      %xor3A_464 = arith.xori %iota3A, %xor3A_463 : vector<16xi32>
      %reshape3A_465 = vector.shape_cast %xor3A_464 : vector<16xi32> to vector<16x1xi32>
      %gather3A_466 = vector.shape_cast %reshape3A_465 : vector<16x1xi32> to vector<16xi32>
      %gather3A_467 = tpu.dynamic_gather %select_n3A_461[%gather3A_466] in [0] : vector<16xi32>, vector<16xi32> -> vector<16xi32>
      %min3A = arith.minsi %select_n3A_461, %gather3A_467 : vector<16xi32>
      %xor3A_468 = arith.constant 2 : i32
      %xor3A_469 = vector.broadcast %xor3A_468 : i32 to vector<16xi32>
      %xor3A_470 = arith.xori %iota3A, %xor3A_469 : vector<16xi32>
      %reshape3A_471 = vector.shape_cast %xor3A_470 : vector<16xi32> to vector<16x1xi32>
      %gather3A_472 = vector.shape_cast %reshape3A_471 : vector<16x1xi32> to vector<16xi32>
      %gather3A_473 = tpu.dynamic_gather %min3A[%gather3A_472] in [0] : vector<16xi32>, vector<16xi32> -> vector<16xi32>
      %min3A_474 = arith.minsi %min3A, %gather3A_473 : vector<16xi32>
      %xor3A_475 = arith.constant 4 : i32
      %xor3A_476 = vector.broadcast %xor3A_475 : i32 to vector<16xi32>
      %xor3A_477 = arith.xori %iota3A, %xor3A_476 : vector<16xi32>
      %reshape3A_478 = vector.shape_cast %xor3A_477 : vector<16xi32> to vector<16x1xi32>
      %gather3A_479 = vector.shape_cast %reshape3A_478 : vector<16x1xi32> to vector<16xi32>
      %gather3A_480 = tpu.dynamic_gather %min3A_474[%gather3A_479] in [0] : vector<16xi32>, vector<16xi32> -> vector<16xi32>
      %min3A_481 = arith.minsi %min3A_474, %gather3A_480 : vector<16xi32>
      %xor3A_482 = arith.constant 8 : i32
      %xor3A_483 = vector.broadcast %xor3A_482 : i32 to vector<16xi32>
      %xor3A_484 = arith.xori %iota3A, %xor3A_483 : vector<16xi32>
      %reshape3A_485 = vector.shape_cast %xor3A_484 : vector<16xi32> to vector<16x1xi32>
      %gather3A_486 = vector.shape_cast %reshape3A_485 : vector<16x1xi32> to vector<16xi32>
      %gather3A_487 = tpu.dynamic_gather %min3A_481[%gather3A_486] in [0] : vector<16xi32>, vector<16xi32> -> vector<16xi32>
      %min3A_488 = arith.minsi %min3A_481, %gather3A_487 : vector<16xi32>
      %gt3A = arith.constant 3.000000e-01 : f32
      %gt3A_489 = vector.broadcast %gt3A : f32 to vector<16xf32>
      %gt3A_490 = arith.cmpf ogt, %max3A_457, %gt3A_489 : vector<16xf32>
      %jit3A_491 = arith.constant 4 : i32
      %broadcast_in_dim3A_492 = vector.broadcast %jit3A_491 : i32 to vector<16xi32>
      %select_n3A_493 = arith.select %gt3A_490, %min3A_488, %broadcast_in_dim3A_492 : vector<16xi1>, vector<16xi32>
      %eq3A_494 = arith.constant 0 : i32
      %eq3A_495 = vector.broadcast %eq3A_494 : i32 to vector<16xi32>
      %eq3A_496 = arith.cmpi eq, %iota3A, %eq3A_495 : vector<16xi32>
      %jit3A_497 = arith.constant 0 : i32
      %broadcast_in_dim3A_498 = vector.broadcast %jit3A_497 : i32 to vector<16xi32>
      %select_n3A_499 = arith.select %eq3A_496, %select_n3A_493, %broadcast_in_dim3A_498 : vector<16xi1>, vector<16xi32>
      %swap3A_500 = arith.constant 0 : index
      %swap3A_501 = tpu.vector_load %arg12[%swap3A_500] {strides = array<i32>} : memref<16xi32, #tpu.memory_space<vmem>>, vector<16xi32>,
      tpu.vector_store %arg12[%swap3A_500], %select_n3A_499 {strides = array<i32>} : memref<16xi32, #tpu.memory_space<vmem>>, vector<16xi32>,
      "tpu.region"() ({
        %run_scoped3A_502 = tpu.sem_alloc : memref<!tpu.dma_semaphore, #tpu.memory_space<semaphore_mem>>
        tpu.enqueue_dma source(%arg12 : memref<16xi32, #tpu.memory_space<vmem>>) target(%arg4 : memref<16xi32, #tpu.memory_space<hbm>>) target_semaphore(%run_scoped3A_502 : memref<!tpu.dma_semaphore, #tpu.memory_space<semaphore_mem>>)
        tpu.wait_dma2 semaphore(%run_scoped3A_502 : memref<!tpu.dma_semaphore, #tpu.memory_space<semaphore_mem>>) src(%arg12 : memref<16xi32, #tpu.memory_space<vmem>>) dst(%arg4 : memref<16xi32, #tpu.memory_space<hbm>>)
        tpu.yield
      }) : () -> ()
    } else {
    }
    return
  }
}

module attributes {stable_mosaic.version = 14 : i64} {
  func.func @_att_body(%arg0: i32, %arg1: memref<3x4096xf32, #tpu.memory_space<vmem>>, %arg2: memref<512x3xf32, #tpu.memory_space<vmem>>, %arg3: memref<512x3xf32, #tpu.memory_space<vmem>>, %arg4: memref<1x512xf32, #tpu.memory_space<vmem>>, %arg5: memref<2x4096xf32, #tpu.memory_space<vmem>>) attributes {dimension_semantics = [#tpu.dimension_semantics<arbitrary>], iteration_bounds = array<i64: 8>, scalar_prefetch = 0 : i64, scratch_operands = 0 : i64, tpu.core_type = #tpu.core_type<tc>, window_params = [{pipeline_mode = #tpu.pipeline_mode<synchronous>, transform_indices = @transform_0, window_bounds = array<i64: 3, 4096>}, {pipeline_mode = #tpu.pipeline_mode<synchronous>, transform_indices = @transform_1, window_bounds = array<i64: 512, 3>}, {pipeline_mode = #tpu.pipeline_mode<synchronous>, transform_indices = @transform_2, window_bounds = array<i64: 512, 3>}, {pipeline_mode = #tpu.pipeline_mode<synchronous>, transform_indices = @transform_3, window_bounds = array<i64: 1, 512>}, {pipeline_mode = #tpu.pipeline_mode<synchronous>, transform_indices = @transform_4, window_bounds = array<i64: 2, 4096>}]} {
    %mul3A = arith.constant 512 : i32
    %mul3A_0 = arith.muli %arg0, %mul3A : i32
    %get3A = arith.constant 0 : index
    %get3A_1 = arith.index_cast %mul3A_0 : i32 to index
    %get3A_2 = vector.load %arg1[%get3A, %get3A_1] : memref<3x4096xf32, #tpu.memory_space<vmem>>, vector<3x512xf32>
    %transpose3A = tpu.transpose %get3A_2, [1, 0] : vector<3x512xf32> -> vector<512x3xf32>
    %get3A_3 = arith.constant 0 : index
    %get3A_4 = arith.constant 0 : index
    %get3A_5 = vector.load %arg2[%get3A_3, %get3A_4] : memref<512x3xf32, #tpu.memory_space<vmem>>, vector<512x3xf32>
    %get3A_6 = arith.constant 0 : index
    %get3A_7 = arith.constant 0 : index
    %get3A_8 = vector.load %arg3[%get3A_6, %get3A_7] : memref<512x3xf32, #tpu.memory_space<vmem>>, vector<512x3xf32>
    %get3A_9 = arith.constant 0 : index
    %get3A_10 = arith.constant 0 : index
    %get3A_11 = vector.load %arg4[%get3A_9, %get3A_10] : memref<1x512xf32, #tpu.memory_space<vmem>>, vector<1x512xf32>
    %dot_general3A = arith.constant dense<0.000000e+00> : vector<3x3xf32>
    %dot_general3A_12 = tpu.matmul %get3A_5, %get3A_8, %dot_general3A {dimension_numbers = #tpu.dot_dimension_numbers<[0], [0], [1], [1], [0, 1, 1, 1], [], []>, precision = #tpu.contract_precision<fp32>, transpose_lhs_hint = false} : vector<512x3xf32>, vector<512x3xf32>, vector<3x3xf32> -> vector<3x3xf32>
    %dot_general3A_13 = arith.constant dense<0.000000e+00> : vector<1x3xf32>
    %dot_general3A_14 = tpu.matmul %get3A_11, %get3A_8, %dot_general3A_13 {dimension_numbers = #tpu.dot_dimension_numbers<[1], [0], [0], [1], [0, 0, 1, 1], [], []>, precision = #tpu.contract_precision<fp32>, transpose_lhs_hint = false} : vector<1x512xf32>, vector<512x3xf32>, vector<1x3xf32> -> vector<1x3xf32>
    %dot_general3A_15 = arith.constant dense<0.000000e+00> : vector<512x3xf32>
    %dot_general3A_16 = tpu.matmul %transpose3A, %dot_general3A_12, %dot_general3A_15 {dimension_numbers = #tpu.dot_dimension_numbers<[1], [0], [0], [1], [0, 0, 1, 1], [], []>, precision = #tpu.contract_precision<fp32>, transpose_lhs_hint = false} : vector<512x3xf32>, vector<3x3xf32>, vector<512x3xf32> -> vector<512x3xf32>
    %add3A = vector.broadcast %dot_general3A_14 : vector<1x3xf32> to vector<512x3xf32>
    %add3A_17 = arith.addf %dot_general3A_16, %add3A : vector<512x3xf32>
    %mul3A_18 = arith.constant 0.832940399 : f32
    %mul3A_19 = vector.broadcast %mul3A_18 : f32 to vector<512x3xf32>
    %mul3A_20 = arith.mulf %add3A_17, %mul3A_19 : vector<512x3xf32>
    %slice3A = vector.extract_strided_slice %mul3A_20 {offsets = [0, 0], sizes = [512, 1], strides = [1, 1]} : vector<512x3xf32> to vector<512x1xf32>
    %get3A_21 = arith.constant 0 : index
    %get3A_22 = arith.constant 0 : index
    %get3A_23 = vector.load %arg1[%get3A_21, %get3A_22] : memref<3x4096xf32, #tpu.memory_space<vmem>>, vector<1x4096xf32>
    %mul3A_24 = vector.broadcast %slice3A : vector<512x1xf32> to vector<512x4096xf32>
    %mul3A_25 = vector.broadcast %get3A_23 : vector<1x4096xf32> to vector<512x4096xf32>
    %mul3A_26 = arith.mulf %mul3A_24, %mul3A_25 : vector<512x4096xf32>
    %slice3A_27 = vector.extract_strided_slice %mul3A_20 {offsets = [0, 1], sizes = [512, 1], strides = [1, 1]} : vector<512x3xf32> to vector<512x1xf32>
    %get3A_28 = arith.constant 1 : index
    %get3A_29 = arith.constant 0 : index
    %get3A_30 = vector.load %arg1[%get3A_28, %get3A_29] : memref<3x4096xf32, #tpu.memory_space<vmem>>, vector<1x4096xf32>
    %mul3A_31 = vector.broadcast %slice3A_27 : vector<512x1xf32> to vector<512x4096xf32>
    %mul3A_32 = vector.broadcast %get3A_30 : vector<1x4096xf32> to vector<512x4096xf32>
    %mul3A_33 = arith.mulf %mul3A_31, %mul3A_32 : vector<512x4096xf32>
    %add3A_34 = arith.addf %mul3A_26, %mul3A_33 : vector<512x4096xf32>
    %slice3A_35 = vector.extract_strided_slice %mul3A_20 {offsets = [0, 2], sizes = [512, 1], strides = [1, 1]} : vector<512x3xf32> to vector<512x1xf32>
    %get3A_36 = arith.constant 2 : index
    %get3A_37 = arith.constant 0 : index
    %get3A_38 = vector.load %arg1[%get3A_36, %get3A_37] : memref<3x4096xf32, #tpu.memory_space<vmem>>, vector<1x4096xf32>
    %mul3A_39 = vector.broadcast %slice3A_35 : vector<512x1xf32> to vector<512x4096xf32>
    %mul3A_40 = vector.broadcast %get3A_38 : vector<1x4096xf32> to vector<512x4096xf32>
    %mul3A_41 = arith.mulf %mul3A_39, %mul3A_40 : vector<512x4096xf32>
    %add3A_42 = arith.addf %add3A_34, %mul3A_41 : vector<512x4096xf32>
    %reduce_max3A = arith.constant dense<0xFF800000> : vector<512xf32>
    %reduce_max3A_43 = vector.multi_reduction <maximumf>, %add3A_42, %reduce_max3A [1] : vector<512x4096xf32> to vector<512xf32>
    %broadcast_in_dim3A = vector.shape_cast %reduce_max3A_43 : vector<512xf32> to vector<512x1xf32>
    %sub3A = vector.broadcast %broadcast_in_dim3A : vector<512x1xf32> to vector<512x4096xf32>
    %sub3A_44 = arith.subf %add3A_42, %sub3A : vector<512x4096xf32>
    %exp23A = math.exp2 %sub3A_44 : vector<512x4096xf32>
    %reduce_sum3A = arith.constant dense<0.000000e+00> : vector<512xf32>
    %reduce_sum3A_45 = vector.multi_reduction <add>, %exp23A, %reduce_sum3A [1] : vector<512x4096xf32> to vector<512xf32>
    %broadcast_in_dim3A_46 = vector.shape_cast %reduce_sum3A_45 : vector<512xf32> to vector<512x1xf32>
    %div3A = arith.constant 1.000000e+00 : f32
    %div3A_47 = vector.broadcast %div3A : f32 to vector<512x1xf32>
    %div3A_48 = arith.divf %div3A_47, %broadcast_in_dim3A_46 : vector<512x1xf32>
    %mul3A_49 = vector.broadcast %div3A_48 : vector<512x1xf32> to vector<512x4096xf32>
    %mul3A_50 = arith.mulf %exp23A, %mul3A_49 : vector<512x4096xf32>
    %reduce_sum3A_51 = arith.constant dense<0.000000e+00> : vector<4096xf32>
    %reduce_sum3A_52 = vector.multi_reduction <add>, %mul3A_50, %reduce_sum3A_51 [0] : vector<512x4096xf32> to vector<4096xf32>
    %broadcast_in_dim3A_53 = vector.shape_cast %reduce_sum3A_52 : vector<4096xf32> to vector<1x4096xf32>
    %eq3A = arith.constant 0 : i32
    %eq3A_54 = arith.cmpi eq, %arg0, %eq3A : i32
    %convert_element_type3A = arith.extui %eq3A_54 : i1 to i32
    %cond3A = arith.constant 0 : i32
    %cond3A_55 = arith.cmpi ne, %convert_element_type3A, %cond3A : i32
    scf.if %cond3A_55 {
      %get3A_60 = arith.constant 0 : index
      %get3A_61 = arith.constant 0 : index
      %get3A_62 = vector.load %arg1[%get3A_60, %get3A_61] : memref<3x4096xf32, #tpu.memory_space<vmem>>, vector<1x4096xf32>
      %get3A_63 = arith.constant 1 : index
      %get3A_64 = arith.constant 0 : index
      %get3A_65 = vector.load %arg1[%get3A_63, %get3A_64] : memref<3x4096xf32, #tpu.memory_space<vmem>>, vector<1x4096xf32>
      %add3A_66 = arith.addf %get3A_62, %get3A_65 : vector<1x4096xf32>
      %get3A_67 = arith.constant 2 : index
      %get3A_68 = arith.constant 0 : index
      %get3A_69 = vector.load %arg1[%get3A_67, %get3A_68] : memref<3x4096xf32, #tpu.memory_space<vmem>>, vector<1x4096xf32>
      %add3A_70 = arith.addf %add3A_66, %get3A_69 : vector<1x4096xf32>
      %eq3A_71 = arith.constant 7.650000e+02 : f32
      %eq3A_72 = vector.broadcast %eq3A_71 : f32 to vector<1x4096xf32>
      %eq3A_73 = arith.cmpf oeq, %add3A_70, %eq3A_72 : vector<1x4096xf32>
      %jit3A = arith.constant 1.000000e+00 : f32
      %jit3A_74 = arith.constant 0.000000e+00 : f32
      %broadcast_in_dim3A_75 = vector.broadcast %jit3A : f32 to vector<1x4096xf32>
      %broadcast_in_dim3A_76 = vector.broadcast %jit3A_74 : f32 to vector<1x4096xf32>
      %select_n3A = arith.select %eq3A_73, %broadcast_in_dim3A_75, %broadcast_in_dim3A_76 : vector<1x4096xi1>, vector<1x4096xf32>
      %swap3A = arith.constant 1 : index
      %swap3A_77 = arith.constant 0 : index
      %swap3A_78 = vector.load %arg5[%swap3A, %swap3A_77] : memref<2x4096xf32, #tpu.memory_space<vmem>>, vector<1x4096xf32>
      tpu.vector_store %arg5[%swap3A, %swap3A_77], %select_n3A {strides = array<i32>} : memref<2x4096xf32, #tpu.memory_space<vmem>>, vector<1x4096xf32>,
      %swap3A_79 = arith.constant 0 : index
      %swap3A_80 = arith.constant 0 : index
      %swap3A_81 = vector.load %arg5[%swap3A_79, %swap3A_80] : memref<2x4096xf32, #tpu.memory_space<vmem>>, vector<1x4096xf32>
      tpu.vector_store %arg5[%swap3A_79, %swap3A_80], %broadcast_in_dim3A_53 {strides = array<i32>} : memref<2x4096xf32, #tpu.memory_space<vmem>>, vector<1x4096xf32>,
    } else {
    }
    %ne3A = arith.constant 0 : i32
    %ne3A_56 = arith.cmpi ne, %arg0, %ne3A : i32
    %convert_element_type3A_57 = arith.extui %ne3A_56 : i1 to i32
    %cond3A_58 = arith.constant 0 : i32
    %cond3A_59 = arith.cmpi ne, %convert_element_type3A_57, %cond3A_58 : i32
    scf.if %cond3A_59 {
      %get3A_60 = arith.constant 0 : index
      %get3A_61 = arith.constant 0 : index
      %get3A_62 = vector.load %arg5[%get3A_60, %get3A_61] : memref<2x4096xf32, #tpu.memory_space<vmem>>, vector<1x4096xf32>
      %add3A_63 = arith.addf %get3A_62, %broadcast_in_dim3A_53 : vector<1x4096xf32>
      %swap3A = arith.constant 0 : index
      %swap3A_64 = arith.constant 0 : index
      %swap3A_65 = vector.load %arg5[%swap3A, %swap3A_64] : memref<2x4096xf32, #tpu.memory_space<vmem>>, vector<1x4096xf32>
      tpu.vector_store %arg5[%swap3A, %swap3A_64], %add3A_63 {strides = array<i32>} : memref<2x4096xf32, #tpu.memory_space<vmem>>, vector<1x4096xf32>,
    } else {
    }
    return
  }
  func.func @transform_0(%arg0: i32) -> (i32, i32) {
    %c0_i32 = arith.constant 0 : i32
    %c0_i32_0 = arith.constant 0 : i32
    %c0_i32_1 = arith.constant 0 : i32
    return %c0_i32, %c0_i32_0 : i32, i32
  }
  func.func @transform_1(%arg0: i32) -> (i32, i32) {
    %c0_i32 = arith.constant 0 : i32
    %c0_i32_0 = arith.constant 0 : i32
    %c0_i32_1 = arith.constant 0 : i32
    return %c0_i32, %c0_i32_0 : i32, i32
  }
  func.func @transform_2(%arg0: i32) -> (i32, i32) {
    %c0_i32 = arith.constant 0 : i32
    %c0_i32_0 = arith.constant 0 : i32
    %c0_i32_1 = arith.constant 0 : i32
    return %c0_i32, %c0_i32_0 : i32, i32
  }
  func.func @transform_3(%arg0: i32) -> (i32, i32) {
    %c0_i32 = arith.constant 0 : i32
    %c0_i32_0 = arith.constant 0 : i32
    %c0_i32_1 = arith.constant 0 : i32
    return %c0_i32, %c0_i32_0 : i32, i32
  }
  func.func @transform_4(%arg0: i32) -> (i32, i32) {
    %c0_i32 = arith.constant 0 : i32
    %c0_i32_0 = arith.constant 0 : i32
    %c0_i32_1 = arith.constant 0 : i32
    return %c0_i32, %c0_i32_0 : i32, i32
  }
}

</mosaic_0001>

<sc_bundles>
// kernel: kernel.4.cloned.1.call-start
scs
__scs_entry_jumppad:
0x0: {  	(pc) =	sbr.rel $0x88, $3  }
0x1: {  	(tag) =	ssettag $0x0;
	lr =	simm.s32 $0x1  }
0x2: {  	[smem:$0x3F9B] =	sst lr;
	_ =	strace $0xD0000000  }
0x3: {  	_ = 	snop  }
0x4: {  	_ = 	snop  }
0x5: {  	_ = 	snop  }
0x6: {  	_ = 	snop  }
0x7: {  	_ = 	snop  }
__scs_overlays_trampoline_lowered:
0x8: {  	[smem:$0x3FAA] =	sst s0  }
0x9: {  	[smem:$0x3FAB] =	sst s1  }
0xa: {  	[smem:$0x3FAC] =	sst s2  }
0xb: {  	[smem:$0x3FAD] =	sst s3  }
0xc: {  	[smem:$0x3FAE] =	sst s4  }
0xd: {  	[smem:$0x3FAF] =	sst s5  }
0xe: {  	[smem:$0x3FB0] =	sst s6  }
0xf: {  	[smem:$0x3FB1] =	sst s7  }
0x10: {  	[smem:$0x3FB2] =	sst s8  }
0x11: {  	[smem:$0x3FB3] =	sst s9;
	s0 =	simm.s32 @!p0 $0x0  }
0x12: {  	s1 =	sld [smem:$0x3F99];
	s0 =	simm.s32 @p0 $0x1  }
0x13: {  	[smem:$0x3FB4] =	sst s0;
	s0 =	simm.s32 @!p1 $0x0  }
0x14: {  	s2 =	sld [smem:$0x3F98];
	s0 =	simm.s32 @p1 $0x1  }
0x15: {  	[smem:$0x3FB5] =	sst s0;
	s0 =	simm.s32 @!p2 $0x0  }
0x16: {  	s3 =	sld [smem:$0x3FDB];
	s0 =	simm.s32 @p2 $0x1  }
0x17: {  	s4 =	simm.s32 $0x1BF5;
	[smem:$0x3FB7] =	sst s0  }
0x18: {  	s0 =	sld [smem:$0x3F9A];
	_ =	swait.ge [sflag:s4], $0x0  }
0x19: {  	s7 =	sld [smem:$0x3F9B]  }
0x1a: {  	s8 =	sadd.s32 $0xFFFFE003, lr  }
0x1b: {  	s9 =	sadd.s32 $0xFFFFFEF7, lr;
	s5 =	simm.s32 $0xFFFFFFFF;
	p2 =	slt.u32 s8, $0xFFFFF086  }
0x1c: {  	p1 =	slt.u32 s9, $0xF7A;
	s5 =	simm.s32 @!p2 $0x0  }
0x1d: {  	s5 =	simm.s32 @p1 $0x1;
	p0 =	seq.s32 s7, s2  }
0x1e: {  	s7 =	smul.u32 @!p0 $0xF7A, s2;
	p2 =	seq.s32 @!p0 s5, $0x0  }
0x1f: {  	s9 =	smul.u32 $0xF7A, s1;
	s8 =	simm.s32 @!p0 $0x1BF5;
	p2 =	por !p2, p0  }
0x20: {  	[sflag:s8] =	ssyncset.s32 @!p0 $0xFFFFF086;
	s6 =	sadd.s32 @!p0 s3, s7;
	s7 =	simm.s32 @!p0 $0x108  }
0x21: {  	s3 =	sadd.s32 s3, s9;
	s6 =	sadd.s32 @!p0 $0x88, s6;
	s7 =	simm.s32 @p2 $0x1082  }
0x22: {  	[simem:s7], [sflag:s8] =	dma.local @!p0 [hbm:s6], $0xF7A  }
0x23: {  	s9 =	sor.u32 $0xD0000000, s2;
	s6 =	simm.s32 $0x108;
	_ =	swait.ge @!p0 [sflag:s8], $0x0  }
0x24: {  	s3 =	sadd.s32 $0x88, s3;
	s6 =	simm.s32 @!p1 $0x1082;
	[sflag:s4] =	ssyncset.s32 $0xFFFFF086  }
0x25: {  	[simem:s6], [sflag:s4] =	dma.local [hbm:s3], $0xF7A  }
0x26: {  	[smem:$0x3F9B] =	sst s1;
	(tag) =	ssettag s2;
	_ =	strace s9  }
0x27: {  	s1 =	sld [smem:$0x3FAB]  }
0x28: {  	s2 =	sld [smem:$0x3FAC]  }
0x29: {  	s4 =	sld [smem:$0x3FAE]  }
0x2a: {  	p0 =	seq.s32 s5, $0x0;
	s5 =	sld [smem:$0x3FAF]  }
0x2b: {  	s6 =	sld [smem:$0x3FB0]  }
0x2c: {  	s7 =	sld [smem:$0x3FB1]  }
0x2d: {  	s3 =	simm.s32 $0x108;
	s8 =	sld [smem:$0x3FB2]  }
0x2e: {  	s3 =	simm.s32 @!p0 $0x1082;
	s9 =	sld [smem:$0x3FB3]  }
0x2f: {  	lr =	sadd.s32 s0, s3;
	s0 =	sld [smem:$0x3FAA]  }
0x30: {  	s3 =	sld [smem:$0x3FAD]  }
0x31: {  	[smem:$0x3FB6] =	sst s10  }
0x32: {  	s10 =	sld [smem:$0x3FB4];
	_ =	sdelay $0x3  }
0x33: {  	p0 =	seq.s32 s10, $0x1;
	s10 =	sld [smem:$0x3FB6];
	_ =	sdelay $0x3  }
0x34: {  	[smem:$0x3FB6] =	sst s10  }
0x35: {  	s10 =	sld [smem:$0x3FB5];
	_ =	sdelay $0x3  }
0x36: {  	p1 =	seq.s32 s10, $0x1;
	s10 =	sld [smem:$0x3FB6];
	_ =	sdelay $0x3  }
0x37: {  	[smem:$0x3FB6] =	sst s10  }
0x38: {  	s10 =	sld [smem:$0x3FB7]  }
0x39: {  	_ = 	snop;
	(pc) =	sbr.ind lr, $3  }
0x3a: {  	_ = 	snop  }
0x3b: {  	_ = 	snop  }
0x3c: {  	p2 =	seq.s32 s10, $0x1;
	s10 =	sld [smem:$0x3FB6]  }
0x3d: {  	_ =	shalt  }
0x3e: {  	_ =	shalt  }
0x3f: {  	_ =	shalt  }
0x40: {  	_ =	shalt  }
0x41: {  	_ =	shalt  }
0x42: {  	_ =	shalt  }
0x43: {  	_ =	shalt  }
0x44: {  	_ =	shalt  }
0x45: {  	_ =	shalt  }
0x46: {  	_ =	shalt  }
0x47: {  	_ =	shalt  }
0x48: {  	_ =	shalt  }
0x49: {  	_ =	shalt  }
0x4a: {  	_ =	shalt  }
0x4b: {  	_ =	shalt  }
0x4c: {  	_ =	shalt  }
0x4d: {  	_ =	shalt  }
0x4e: {  	_ =	shalt  }
0x4f: {  	_ =	shalt  }
0x50: {  	_ =	shalt  }
0x51: {  	_ =	shalt  }
0x52: {  	_ =	shalt  }
0x53: {  	_ =	shalt  }
0x54: {  	_ =	shalt  }
0x55: {  	_ =	shalt  }
0x56: {  	_ =	shalt  }
0x57: {  	_ =	shalt  }
0x58: {  	_ =	shalt  }
0x59: {  	_ =	shalt  }
0x5a: {  	_ =	shalt  }
0x5b: {  	_ =	shalt  }
0x5c: {  	_ =	shalt  }
0x5d: {  	_ =	shalt  }
0x5e: {  	_ =	shalt  }
0x5f: {  	_ =	shalt  }
0x60: {  	_ =	shalt  }
0x61: {  	_ =	shalt  }
0x62: {  	_ =	shalt  }
0x63: {  	_ =	shalt  }
0x64: {  	_ =	shalt  }
0x65: {  	_ =	shalt  }
0x66: {  	_ =	shalt  }
0x67: {  	_ =	shalt  }
0x68: {  	_ =	shalt  }
0x69: {  	_ =	shalt  }
0x6a: {  	_ =	shalt  }
0x6b: {  	_ =	shalt  }
0x6c: {  	_ =	shalt  }
0x6d: {  	_ =	shalt  }
0x6e: {  	_ =	shalt  }
0x6f: {  	_ =	shalt  }
0x70: {  	_ =	shalt  }
0x71: {  	_ =	shalt  }
0x72: {  	_ =	shalt  }
0x73: {  	_ =	shalt  }
0x74: {  	_ =	shalt  }
0x75: {  	_ =	shalt  }
0x76: {  	_ =	shalt  }
0x77: {  	_ =	shalt  }
0x78: {  	_ =	shalt  }
0x79: {  	_ =	shalt  }
0x7a: {  	_ =	shalt  }
0x7b: {  	_ =	shalt  }
0x7c: {  	_ =	shalt  }
0x7d: {  	_ =	shalt  }
0x7e: {  	_ =	shalt  }
0x7f: {  	_ =	shalt  }
0x80: {  	_ =	shalt  }
0x81: {  	_ =	shalt  }
0x82: {  	_ =	shalt  }
0x83: {  	_ =	shalt  }
0x84: {  	_ =	shalt  }
0x85: {  	_ =	shalt  }
0x86: {  	_ =	shalt  }
0x87: {  	_ =	shalt  }
.Lfunc_end0:
.L_simem_size_0:
called_computation_lowered:
.L_overlay_start_0:
0x88: {  	s2 =	sld [smem:$0x3FD9]  }
0x89: {  	s3 =	sld [smem:$0x3FFE];
	_ =	sdelay $0x1  }
0x8a: {  	s1 =	srdreg.scid  }
0x8b: {  	s0 =	sand.u32 $0x1, s1  }
0x8c: {  	s17 =	sshll.u32 s0, $0xA;
	s2 =	sadd.s32 s3, s2  }
0x8d: {  	s2 =	sadd.s32 s2, s17  }
0x8e: {  	[smem:$0x3FC2] =	sst s2  }
0x8f: {  	_ = 	snop  }
0x90: {  	s2 =	sld [smem:$0x3FD0];
	(tm) =	ssettm $0x1  }
0x91: {  	s18 =	sld [smem:$0x3FFB];
	_ =	sdelay $0x3  }
0x92: {  	_ =	strace s18  }
0x93: {  	s3 =	sld [smem:$0x3FFC];
	_ =	sdelay $0x3  }
0x94: {  	_ =	strace s3  }
0x95: {  	s3 =	sld [smem:$0x3FFD];
	_ =	sdelay $0x3  }
0x96: {  	_ =	strace s3  }
0x97: {  	_ =	strace $0x8FFFFFFF  }
0x98: {  	s19 =	sld [smem:$0x3FDB];
	_ =	sdelay $0x1  }
0x99: {  	s4 =	simm.s32 $_scs_section_size  }
0x9a: {  	s5 =	simm.s32 $_size__tile_overlayer_lowered;
	s6 =	simm.s32 $_tile_overlayer_lowered  }
0x9b: {  	s22 =	simm.s32 $0x1BFF;
	s21 =	sshll.u32 s6, $0x1;
	s3 =	sadd.s32 s4, s19  }
0x9c: {  	s7 =	simm.s32 $0x0;
	s20 =	sshll.u32 s5, $0x1;
	s5 =	sadd.s32 s21, s3  }
0x9d: {  	[timem:s7], [sflag:s22] =	dma.local [hbm:s5], s20  }
0x9e: {  	_ =	swait.ge [sflag:s22], s20  }
0x9f: {  	s4 =	ssub.s32 $0x0, s20;
	[sflag:s22] =	ssyncset.done $0x0  }
0xa0: {  	[sflag:s22] =	ssyncadd.s32 s4;
	_ =	sdelay $0x1  }
0xa1: {  	s23 =	simm.s32 $0x1B8B  }
0xa2: {  	_ =	swait.ge [sflag:s23], $0x1  }
0xa3: {  	[sflag:s23] =	ssyncset.done $0x0  }
0xa4: {  	s25 =	simm.s32 $0x1B8E;
	s24 =	sld [smem:$0x3FFE];
	[sflag:s23] =	ssyncadd.s32 $0xFFFFFFFF  }
0xa5: {  	s26 =	simm.s32 $execute0_lowered;
	[smem:$0x3FD2] =	sst s25  }
0xa6: {  	s5 =	sshll.u32 s26, $0x1;
	_ =	strace $0x80000046;
	[dreg:$0x1] =	wrdreg $0xFFFFFFFF  }
0xa7: {  	s28 =	simm.s32 $_size_execute0_lowered;
	s3 =	sadd.s32 s3, s5;
	[dreg:$0x0] =	wrdreg $0x0  }
0xa8: {  	s5 =	sshll.u32 s28, $0x1;
	[dreg:$0x2] =	wrdreg s3  }
0xa9: {  	[dreg:$0x3] =	wrdreg s5  }
0xaa: {  	[dreg:$0x4] =	wrdreg $0xC0  }
0xab: {  	_ =	task [dreg:s7], $0x5FFFF  }
0xac: {  	[dreg:$0x1] =	wrdreg $0xFFFFFFFF  }
0xad: {  	[dreg:$0x0] =	wrdreg $0x60  }
0xae: {  	[dreg:$0x2] =	wrdreg s24  }
0xaf: {  	[dreg:$0x3] =	wrdreg s2  }
0xb0: {  	[dreg:$0x4] =	wrdreg $0x16800  }
0xb1: {  	[dreg:$0x5] =	wrdreg $0x16900  }
0xb2: {  	[dreg:$0x6] =	wrdreg $0x9  }
0xb3: {  	_ =	task.clear_ibuf [dreg:s7], $0x7FFFF;
	_ =	strace $0x90000046  }
0xb4: {  	s29 =	simm.s32 $0x9;
	_ =	strace $0x80000048  }
0xb5: {  	_ =	swait.ge [sflag:s29], $0x1  }
0xb6: {  	[sflag:s29] =	ssyncadd.s32 $0xFFFFFFFF  }
0xb7: {  	_ =	strace $0x90000048  }
0xb8: {  	_ =	sfence  }
0xb9: {  	s30 =	sld [smem:$0x0];
	_ =	sdelay $0x2  }
0xba: {  	s31 =	sshll.u32 s1, $0xD;
	s1 =	sshrl.u32 s1, $0x2  }
0xbb: {  	s3 =	sand.u32 $0x4000, s31;
	s1 =	sadd.s32 s1, s30  }
0xbc: {  	s0 =	sor.u32 s3, s0;
	s1 =	sshll.u32 s1, $0x11  }
0xbd: {  	s0 =	sor.u32 s1, s0  }
0xbe: {  	s0 =	sadd.s32 $0x8F2B, s0  }
0xbf: {  	[sflag:s0] =	ssyncadd.remote.s32 $0x1  }
0xc0: {  	_ =	sfence.sel $0xFFFF  }
0xc1: {  	[dreg:$0x0] =	wrdreg $0xFFFFFFFF;
	(pc) =	sbr.abs _section_cstart, $3  }
0xc2: {  	[dreg:$0x1] =	wrdreg $0xFFFFFFFF  }
0xc3: {  	_ =	task.clear_ibuf [dreg:s7], $0x2FFFF;
	_ =	strace $0x9FFFFFFF  }
0xc4: {  	(tm) =	ssettm $0x7FFFFFFF  }
0xc5: {  	_ =	shalt  }
tec
execute0_lowered:
.L_overlay_start_1:
0x0: {  	(tag) =	ssettag $0x1  }
0x1: {  	s8 =	rddreg [dreg:$0x0]  }
0x2: {  	s1 =	rddreg [dreg:$0x1];
	v0 =	vimm.s32 $0xEFCDAB89;
	v1 =	vimm.f32 $6.400000000e+01  }
0x3: {  	s2 =	rddreg [dreg:$0x2];
	v3 =	vimm.s32 $0x54761032;
	v4 =	vimm.s32 $0xBA98FEDC;
	v5 =	vimm.s32 $0x32107654  }
0x4: {  	s3 =	rddreg [dreg:$0x3];
	s4 =	simm.s32 $0x0;
	v8 =	vimm.s32 $0x76543210;
	v9 =	vimm.s32 $0x0;
	v10 =	vimm.s32 $0x2  }
0x5: {  	v11 =	vimm.s32 $0x3;
	v12 =	vimm.s32 $0x4;
	v13 =	vimm.s32 $0x5;
	[smem:$0x7FF] =	sst s4  }
0x6: {  	s0 =	rddreg [dreg:$0x4];
	v15 =	vimm.s32 $0x7;
	v16 =	vimm.s32 $0x8;
	v0 =	vunpack.c.l.s4.s8 v0;
	_ =	strace $0x80000047  }
0x7: {  	v3 =	vunpack.c.l.s4.s8 v3;
	(erf) = vrcp.f32 v1;
	v1 =	vimm.s32 $0x67452301  }
0x8: {  	s5 =	stileid.u32;
	v2 =	vunpack.c.0.s8.s32 v0;
	v0 =	vunpack.c.l.s4.s8 v1;
	v1 =	vimm.s32 $0xDCFE98BA  }
0x9: {  	s6 =	srdreg.scid;
	s13 =	simm.s32 $0x100;
	s14 =	simm.s32 $0x1;
	v17 =	vimm.s32 $0x9;
	v4 =	vunpack.c.l.s4.s8 v4;
	v1 =	vunpack.c.l.s4.s8 v1  }
0xa: {  	s15 =	simm.s32 $0x180;
	s16 =	simm.s32 $0x1200;
	s17 =	simm.s32 $0x1300;
	v3 =	vunpack.c.0.s8.s32 v3;
	v6 =	vunpack.c.0.s8.s32 v0;
	v0 =	vunpack.c.l.s4.s8 v5  }
0xb: {  	s18 =	simm.s32 $0x200;
	s19 =	simm.s32 $0x1600;
	s30 =	sshll.u32 s5, $0x8;
	v4 =	vunpack.c.0.s8.s32 v4;
	v5 =	vimm.s32 $0xFEDCBA98;
	v1 =	vunpack.c.0.s8.s32 v1  }
0xc: {  	s20 =	simm.s32 $0x0;
	s9 =	sand.u32 $0x1, s6;
	s7 =	sshll.u32 s5, $0x6;
	v5 =	vunpack.c.l.s4.s8 v5;
	v7 =	vunpack.c.0.s8.s32 v0;
	v0 =	vmov s30  }
.Ltmp0:
0xd: {  	s6 =	sadd.s32 $0x1000, s8;
	s31 =	sshll.u32 s5, $0x4;
	v2 =	vcombine.low v6, v2;
	v6 =	vunpack.c.l.s4.s8 v8;
	v8 =	vimm.s32 $0x6;
	(pc) =	sbr.rel .LBB2_1-.Ltmp0, $4  }
0xe: {  	s10 =	ssub.s32 $0x2, s9;
	s7 =	sadd.s32 s7, s8;
	s12 =	sor.u32 s5, s9;
	v3 =	vcombine.low v3, v1;
	v5 =	vunpack.c.0.s8.s32 v5;
	v1 =	vlaneseq.u32  }
0xf: {  	s8 =	sadd.s32 $0x1210, s8;
	s9 =	sadd.s32 s31, s2;
	s11 =	sshrl.u32 s10, $0x1;
	v4 =	vcombine.low v7, v4;
	v2 =	vand.u32 $0xF, v2;
	v6 =	vunpack.c.0.s8.s32 v6  }
0x10: {  	s7 =	sadd.s32 $0x1200, s7;
	p0 =	sne.s32 s12, $0x0;
	s11 =	ssub.s32 s10, s11;
	v7 =	vimm.s32 $0x1;
	v3 =	vand.u32 $0xF, v3;
	v5 =	vand.u32 $0xF, v5  }
0x11: {  	s12 =	simm.s32 $0x80;
	s10 =	sadd.s32 s31, s3;
	s11 =	smax.u32 s11, $0x1;
	v4 =	vand.u32 $0xF, v4;
	v5 =	vcombine.low v5, v6;
	v6 =	vimm.f32 $-Inf;
	v14 =	vpop (erf)  }
.LBB2_11:
0x12: {  	s20 =	sadd.s32 $0x1, s20  }
0x13: {  	p1 =	sne.s32 s20, s11  }
.Ltmp1:
0x14: {  	_ = 	snop;
	(pc) =	sbr.rel @!p1 .LBB2_12-.Ltmp1, $1  }
0x15: {  	_ =	sdelay $0x3  }
.LBB2_1:
0x16: {  	[tilespmem:s4], [sflag:$0x1] =	stream.strided.gather [hbm4b:s7+s12], $0x100, s13, s12, $0x38;
	[tilespmem:$0x16A0] =	vst v63  }
0x17: {  	_ =	swait.ge [sflag:s14], $0x100  }
0x18: {  	s21 =	simm.s32 @!p0 $0x80;
	[sflag:s14] =	ssyncset.done $0x0  }
0x19: {  	s22 =	simm.s32 @!p0 $0x100;
	s23 =	simm.s32 @!p0 $0x200;
	[sflag:s14] =	ssyncadd.s32 $0xFFFFFF00  }
0x1a: {  	[tilespmem:s23], [sflag:$0x1] =	stream.strided.gather @!p0 [hbm4b:s8+s21], $0x1000, s22, s21, $0x38;
	[tilespmem:$0x16A0] =	vst v63  }
0x1b: {  	s21 =	simm.s32 @!p0 $0x1  }
0x1c: {  	_ =	swait.ge @!p0 [sflag:s21], $0x1000  }
0x1d: {  	[sflag:s21] =	ssyncset.done @!p0 $0x0  }
0x1e: {  	s22 =	simm.s32 @!p0 $0x0;
	s23 =	simm.s32 @!p0 $0x1400;
	[sflag:s21] =	ssyncadd.s32 @!p0 $0xFFFFF000  }
0x1f: {  	[tilespmem:s23], [sflag:$0x1] =	stream.linear.gather @!p0 [hbm4b:s6+s22], $0x200, $0x38;
	[tilespmem:$0x16A0] =	vst v63  }
0x20: {  	_ =	swait.ge @!p0 [sflag:s21], $0x200  }
0x21: {  	[sflag:s21] =	ssyncset.done @!p0 $0x0  }
0x22: {  	v18 =	vimm.s32 $0x1000;
	v19 =	vimm.f32 $-Inf;
	[sflag:s21] =	ssyncadd.s32 @!p0 $0xFFFFFE00;
	s21 =	simm.s32 $0x0  }
.LBB2_2:
0x23: {  	s22 =	simm.s32 $0x20  }
0x24: {  	v21 =	vld [tilespmem:s22+$0xFFFFFFE0];
	_ =	sdelay $0x1  }
0x25: {  	v23 =	vld [tilespmem:s22+$0xFFFFFFF0];
	_ =	sdelay $0x1  }
0x26: {  	v22 =	vimm.f32 $-Inf;
	v20 =	vld [tilespmem:s22+$0x0]  }
0x27: {  	s23 =	simm.s32 $0x0;
	vm0 =	vgt.f32 v21, v22  }
0x28: {  	v24 =	vimm.s32 $0x0;
	s24 =	simm.s32 $0x10;
	v25 =	vor.u32 s23, v1;
	v26 =	vsel vm0, v21, v22;
	v21 =	vld [tilespmem:s22+$0x10]  }
0x29: {  	v27 =	vor.u32 s24, v1;
	s24 =	simm.s32 $0x60;
	v25 =	vsel vm0, v25, v24;
	vm15 =	vgt.f32 v23, v26  }
0x2a: {  	s25 =	simm.s32 $0x80;
	s26 =	simm.s32 $0x20;
	s22 =	simm.s32 $0x40;
	v22 =	vld [tilespmem:s24+$0xFFFFFFE0];
	v24 =	vsel vm15, v23, v26;
	v23 =	vsel vm15, v27, v25  }
.LBB2_3:
0x2b: {  	p1 =	sne.s32 s25, $0xC0;
	vm0 =	vgt.f32 v20, v24;
	v25 =	vor.u32 s26, v1  }
0x2c: {  	s26 =	sadd.s32 $0x30, s23;
	s23 =	smov.u32 s22;
	s22 =	smov.u32 s25;
	v26 =	vld [tilespmem:s24+$0xFFFFFFF0];
	v24 =	vsel vm0, v20, v24;
	v23 =	vsel vm0, v25, v23  }
0x2d: {  	v25 =	vor.u32 s26, v1;
	vm0 =	vgt.f32 v21, v24  }
.Ltmp2:
0x2e: {  	v20 =	vld [tilespmem:s24+$0x0];
	v21 =	vsel vm0, v21, v24;
	v23 =	vsel vm0, v25, v23;
	(pc) =	sbr.rel @p1 .LBB2_3-.Ltmp2, $4  }
0x2f: {  	v24 =	vor.u32 s23, v1;
	vm0 =	vgt.f32 v22, v21  }
0x30: {  	s26 =	sadd.s32 $0x10, s23;
	v25 =	vsel vm0, v22, v21;
	v23 =	vsel vm0, v24, v23;
	v21 =	vld [tilespmem:s24+$0x10]  }
0x31: {  	v27 =	vor.u32 s26, v1;
	s24 =	sadd.s32 $0x40, s24;
	vm0 =	vgt.f32 v26, v25  }
0x32: {  	s25 =	sadd.s32 $0x40, s25;
	s26 =	sadd.s32 $0x20, s23;
	v22 =	vld [tilespmem:s24+$0xFFFFFFE0];
	v24 =	vsel vm0, v26, v25;
	v23 =	vsel vm0, v27, v23  }
0x33: {  	vm0 =	vgt.f32 v20, v24  }
0x34: {  	v25 =	vld [tilespmem:s24+$0xFFFFFFF0];
	v20 =	vsel vm0, v20, v24  }
0x35: {  	vm1 =	vgt.f32 v21, v20  }
0x36: {  	v52 =	vld [tilespmem:s24+$0x0];
	v20 =	vsel vm1, v21, v20  }
0x37: {  	vm2 =	vgt.f32 v22, v20  }
0x38: {  	v53 =	vld [tilespmem:s24+$0x10];
	v20 =	vsel vm2, v22, v20  }
0x39: {  	vm3 =	vgt.f32 v25, v20  }
0x3a: {  	v20 =	vsel vm3, v25, v20  }
0x3b: {  	vm4 =	vgt.f32 v52, v20  }
0x3c: {  	v20 =	vsel vm4, v52, v20  }
0x3d: {  	vm5 =	vgt.f32 v53, v20  }
0x3e: {  	v20 =	vsel vm5, v53, v20  }
0x3f: {  	v21 =	vperm.xlane v20, v2;
	_ =	sdelay $0x1  }
0x40: {  	v21 =	vmax.f32 v20, v21  }
0x41: {  	v54 =	vperm.xlane v21, v3;
	_ =	sdelay $0x1  }
0x42: {  	v21 =	vmax.f32 v21, v54  }
0x43: {  	v55 =	vor.u32 s26, v1;
	s23 =	sadd.s32 $0x30, s23;
	v56 =	vperm.xlane v21, v4  }
0x44: {  	v57 =	vor.u32 s23, v1;
	v22 =	vsel vm0, v55, v23  }
0x45: {  	v58 =	vor.u32 s22, v1;
	s29 =	sadd.s32 $0x10, s22;
	v22 =	vsel vm1, v57, v22;
	v21 =	vmax.f32 v21, v56  }
0x46: {  	s30 =	sadd.s32 $0x20, s22;
	v59 =	vor.u32 s29, v1;
	v22 =	vsel vm2, v58, v22;
	v24 =	vperm.xlane v21, v5  }
0x47: {  	s31 =	sadd.s32 $0x30, s22;
	v60 =	vor.u32 s30, v1;
	v22 =	vsel vm3, v59, v22  }
0x48: {  	v61 =	vor.u32 s31, v1;
	v22 =	vsel vm4, v60, v22;
	v21 =	vmax.f32 v21, v24  }
0x49: {  	v22 =	vsel vm5, v61, v22;
	vm14 =	veq.f32 v20, v21  }
0x4a: {  	v20 =	vnsel vm14, $0x1000, v22  }
0x4b: {  	v22 =	vperm.xlane v20, v2;
	_ =	sdelay $0x1  }
0x4c: {  	vm0 =	vlt.s32 v20, v22  }
0x4d: {  	v20 =	vsel vm0, v20, v22  }
0x4e: {  	v22 =	vperm.xlane v20, v3;
	_ =	sdelay $0x1  }
0x4f: {  	vm0 =	vlt.s32 v20, v22  }
0x50: {  	v20 =	vsel vm0, v20, v22  }
0x51: {  	v22 =	vperm.xlane v20, v4;
	_ =	sdelay $0x1  }
0x52: {  	vm0 =	vlt.s32 v20, v22  }
0x53: {  	v20 =	vsel vm0, v20, v22  }
0x54: {  	v22 =	vperm.xlane v20, v5;
	_ =	sdelay $0x1  }
0x55: {  	v62 =	vmov s21;
	s21 =	sadd.s32 $0x1, s21;
	vm0 =	vlt.s32 v20, v22  }
0x56: {  	p1 =	sne.s32 s21, $0xA;
	v20 =	vsel vm0, v20, v22  }
.Ltmp3:
0x57: {  	_ = 	snop;
	(pc) =	sbr.rel @p1 .LBB2_2-.Ltmp3, $3  }
0x58: {  	_ =	sdelay $0x1  }
0x59: {  	vm15 =	veq.s32 v62, v1;
	v63 =	vadd.s32 v0, v20  }
0x5a: {  	v19 =	vsel vm15, v21, v19;
	v18 =	vsel vm15, v63, v18;
	[tilespmem:v20+s4+$0x0] =	vst.idx.msk $0x1, v6  }
0x5b: {  	[tilespmem:$0x100] =	vst v19  }
0x5c: {  	[tilespmem:$0x180] =	vst v18  }
0x5d: {  	[spmem:s9] =	stream.linear.scatter [tilespmem:s13], [sflag:$0x1], $0x10, $0x38;
	[tilespmem:$0x16A0] =	vst v63  }
0x5e: {  	_ =	swait.ge [sflag:s14], $0x10  }
0x5f: {  	[sflag:s14] =	ssyncset.done $0x0  }
0x60: {  	[sflag:s14] =	ssyncadd.s32 $0xFFFFFFF0  }
0x61: {  	[spmem:s10] =	stream.linear.scatter [tilespmem:s15], [sflag:$0x1], $0x10, $0x38;
	[tilespmem:$0x16A0] =	vst v63  }
.Ltmp4:
0x62: {  	_ =	swait.ge [sflag:s14], $0x10;
	(pc) =	sbr.rel @p0 .LBB2_11-.Ltmp4, $3  }
0x63: {  	[sflag:s14] =	ssyncset.done $0x0  }
0x64: {  	[sflag:s14] =	ssyncadd.s32 $0xFFFFFFF0  }
0x65: {  	[bflag:$0x0] =	sbarrier.arrive $0xFFFF;
	_ =	sdelay $0x1  }
0x66: {  	[tilespmem:s16], [sflag:$0x1] =	stream.linear.gather [spmem:s2], $0x100, $0x38;
	[tilespmem:$0x16A0] =	vst v63  }
0x67: {  	_ =	swait.ge [sflag:s14], $0x100  }
0x68: {  	[sflag:s14] =	ssyncset.done $0x0  }
0x69: {  	[sflag:s14] =	ssyncadd.s32 $0xFFFFFF00  }
0x6a: {  	[tilespmem:s17], [sflag:$0x1] =	stream.linear.gather [spmem:s3], $0x100, $0x38;
	[tilespmem:$0x16A0] =	vst v63  }
0x6b: {  	_ =	swait.ge [sflag:s14], $0x100  }
0x6c: {  	v19 =	vimm.s32 $0x1000;
	[sflag:s14] =	ssyncset.done $0x0  }
0x6d: {  	s21 =	simm.s32 $0x0;
	v21 =	vimm.f32 $+Inf;
	v20 =	vimm.s32 $0xFFFFFFFF;
	v18 =	vimm.s32 $0x1000;
	[sflag:s14] =	ssyncadd.s32 $0xFFFFFF00  }
.LBB2_7:
0x6e: {  	s22 =	simm.s32 $0x0  }
0x6f: {  	v23 =	vld [tilespmem:s22+$0x1230]  }
0x70: {  	v22 =	vld [tilespmem:s22+$0x1220]  }
0x71: {  	v24 =	vld [tilespmem:s22+$0x1200]  }
0x72: {  	v25 =	vld [tilespmem:s22+$0x1300];
	_ =	sdelay $0x1  }
0x73: {  	v26 =	vld [tilespmem:s22+$0x1210]  }
0x74: {  	v27 =	vld [tilespmem:s22+$0x1310]  }
0x75: {  	v28 =	vimm.f32 $-Inf;
	vm0 =	vlt.f32 v23, v21;
	vm1 =	veq.f32 v23, v21  }
0x76: {  	vm2 =	veq.f32 v24, v21;
	vm3 =	vlt.f32 v22, v21;
	vm4 =	vgt.s32 v25, v20  }
0x77: {  	v30 =	vld [tilespmem:s22+$0x1320];
	vm5 =	vlt.f32 v24, v21;
	vm14 =	veq.f32 v22, v21;
	vm2 =	vmand vm2, vm4  }
0x78: {  	vm15 =	vlt.f32 v26, v21;
	vm6 =	veq.f32 v26, v21;
	vm2 =	vmor vm5, vm2  }
0x79: {  	v24 =	vnsel vm2, $0xFF800000, v24;
	v29 =	vnsel vm2, $0x1000, v25;
	vm2 =	vgt.s32 v27, v20  }
0x7a: {  	vm7 =	veq.f32 v24, v28;
	vm8 =	vlt.s32 v29, v19;
	vm2 =	vmand vm6, vm2  }
0x7b: {  	vm11 =	vgt.f32 v24, v28;
	vm7 =	vmand vm7, vm8;
	vm2 =	vmor vm15, vm2  }
0x7c: {  	vm13 =	vgt.s32 v30, v20;
	v25 =	vld [tilespmem:s22+$0x1330];
	vm12 =	vmor vm11, vm7;
	v26 =	vnsel vm2, $0xFF800000, v26  }
0x7d: {  	v31 =	vnsel vm2, $0x1000, v27;
	v28 =	vsel vm12, v24, v28;
	v29 =	vsel vm12, v29, v19  }
0x7e: {  	vm4 =	vmand vm14, vm13;
	vm2 =	veq.f32 v26, v28;
	vm5 =	vlt.s32 v31, v29  }
0x7f: {  	vm3 =	vmor vm3, vm4;
	vm14 =	vgt.f32 v26, v28;
	vm2 =	vmand vm2, vm5  }
0x80: {  	s22 =	simm.s32 $0x40;
	v30 =	vnsel vm3, $0x1000, v30;
	v27 =	vnsel vm3, $0xFF800000, v22;
	vm2 =	vmor vm14, vm2  }
0x81: {  	v24 =	vld [tilespmem:s22+$0x1230];
	vm15 =	vgt.s32 v25, v20;
	v28 =	vsel vm2, v26, v28;
	v29 =	vsel vm2, v31, v29  }
0x82: {  	v22 =	vld [tilespmem:s22+$0x1220];
	vm4 =	vmand vm1, vm15;
	vm2 =	veq.f32 v27, v28;
	vm3 =	vlt.s32 v30, v29  }
0x83: {  	s23 =	simm.s32 $0x200;
	vm0 =	vmor vm0, vm4;
	v26 =	vld [tilespmem:s22+$0x1200];
	vm1 =	vgt.f32 v27, v28;
	vm2 =	vmand vm2, vm3  }
.LBB2_8:
0x84: {  	p1 =	sne.s32 s23, $0x300;
	v31 =	vld [tilespmem:s22+$0x1300];
	vm1 =	vmor vm1, vm2;
	v32 =	vnsel vm0, $0xFF800000, v23  }
0x85: {  	v25 =	vnsel vm0, $0x1000, v25;
	v27 =	vsel vm1, v27, v28;
	v28 =	vsel vm1, v30, v29  }
0x86: {  	v29 =	vld [tilespmem:s22+$0x1210];
	vm0 =	vlt.f32 v24, v21;
	vm2 =	veq.f32 v32, v27;
	vm3 =	vlt.s32 v25, v28;
	v23 =	vmovc v24  }
0x87: {  	vm4 =	vgt.f32 v32, v27;
	v24 =	vld [tilespmem:s22+$0x1310];
	vm1 =	veq.f32 v23, v21;
	vm3 =	vmand vm2, vm3  }
0x88: {  	vm2 =	vlt.f32 v22, v21;
	vm5 =	veq.f32 v26, v21;
	vm3 =	vmor vm4, vm3  }
0x89: {  	vm4 =	vgt.s32 v31, v20;
	v27 =	vsel vm3, v32, v27;
	v28 =	vsel vm3, v25, v28  }
0x8a: {  	vm3 =	vlt.f32 v26, v21;
	vm4 =	vmand vm5, vm4;
	v30 =	vld [tilespmem:s22+$0x1320];
	vm5 =	veq.f32 v22, v21  }
0x8b: {  	vm3 =	vmor vm3, vm4;
	vm4 =	vlt.f32 v29, v21;
	vm6 =	veq.f32 v29, v21  }
0x8c: {  	v26 =	vnsel vm3, $0xFF800000, v26;
	v31 =	vnsel vm3, $0x1000, v31;
	vm3 =	vgt.s32 v24, v20  }
0x8d: {  	vm7 =	veq.f32 v26, v27;
	vm8 =	vlt.s32 v31, v28;
	vm3 =	vmand vm6, vm3  }
0x8e: {  	vm6 =	vgt.f32 v26, v27;
	vm7 =	vmand vm7, vm8;
	vm3 =	vmor vm4, vm3;
	v25 =	vld [tilespmem:s22+$0x1330]  }
0x8f: {  	vm4 =	vmor vm6, vm7;
	v29 =	vnsel vm3, $0xFF800000, v29;
	vm6 =	vgt.s32 v30, v20  }
0x90: {  	v32 =	vnsel vm3, $0x1000, v24;
	v26 =	vsel vm4, v26, v27;
	v31 =	vsel vm4, v31, v28  }
0x91: {  	vm5 =	vmand vm5, vm6;
	vm3 =	veq.f32 v29, v26;
	vm4 =	vlt.s32 v32, v31  }
.Ltmp5:
0x92: {  	vm6 =	vgt.f32 v29, v26;
	vm2 =	vmor vm2, vm5;
	vm3 =	vmand vm3, vm4;
	(pc) =	sbr.rel @p1 .LBB2_8-.Ltmp5, $4  }
0x93: {  	s22 =	sshra.s32 s23, $0x2;
	v27 =	vnsel vm2, $0xFF800000, v22;
	vm3 =	vmor vm6, vm3;
	vm4 =	vgt.s32 v25, v20  }
0x94: {  	v30 =	vnsel vm2, $0x1000, v30;
	v24 =	vld [tilespmem:s22+$0x1230];
	v28 =	vsel vm3, v29, v26;
	v29 =	vsel vm3, v32, v31  }
0x95: {  	vm4 =	vmand vm1, vm4;
	v22 =	vld [tilespmem:s22+$0x1220];
	vm2 =	veq.f32 v27, v28;
	vm3 =	vlt.s32 v30, v29  }
0x96: {  	s23 =	sadd.s32 $0x100, s23;
	vm1 =	vgt.f32 v27, v28;
	vm0 =	vmor vm0, vm4;
	v26 =	vld [tilespmem:s22+$0x1200];
	vm2 =	vmand vm2, vm3  }
0x97: {  	v31 =	vld [tilespmem:s22+$0x1300];
	vm1 =	vmor vm1, vm2;
	v23 =	vnsel vm0, $0xFF800000, v23  }
0x98: {  	v25 =	vnsel vm0, $0x1000, v25;
	v56 =	vld [tilespmem:s22+$0x1210];
	v27 =	vsel vm1, v27, v28;
	v55 =	vsel vm1, v30, v29  }
0x99: {  	v57 =	vld [tilespmem:s22+$0x1310];
	vm0 =	vlt.f32 v24, v21;
	vm11 =	veq.f32 v23, v27;
	vm3 =	vlt.s32 v25, v55  }
0x9a: {  	vm1 =	veq.f32 v24, v21;
	vm4 =	vgt.f32 v23, v27;
	vm3 =	vmand vm11, vm3  }
0x9b: {  	vm2 =	vlt.f32 v22, v21;
	vm5 =	veq.f32 v26, v21;
	vm3 =	vmor vm4, vm3  }
0x9c: {  	vm13 =	vlt.f32 v26, v21;
	vm12 =	vgt.s32 v31, v20;
	v23 =	vsel vm3, v23, v27  }
0x9d: {  	v58 =	vld [tilespmem:s22+$0x1320];
	v25 =	vsel vm3, v25, v55;
	vm14 =	vlt.f32 v56, v21;
	vm4 =	vmand vm5, vm12  }
0x9e: {  	vm6 =	veq.f32 v56, v21;
	vm15 =	vgt.s32 v57, v20;
	vm3 =	vmor vm13, vm4  }
0x9f: {  	vm5 =	veq.f32 v22, v21;
	v21 =	vnsel vm3, $0xFF800000, v26;
	v59 =	vnsel vm3, $0x1000, v31  }
0xa0: {  	vm3 =	vmand vm6, vm15;
	vm7 =	veq.f32 v21, v23;
	vm8 =	vlt.s32 v59, v25  }
0xa1: {  	v60 =	vld [tilespmem:s22+$0x1330];
	vm11 =	vgt.f32 v21, v23;
	vm3 =	vmor vm14, vm3;
	vm7 =	vmand vm7, vm8  }
0xa2: {  	vm13 =	vgt.s32 v58, v20;
	v29 =	vnsel vm3, $0xFF800000, v56;
	vm12 =	vmor vm11, vm7  }
0xa3: {  	v61 =	vnsel vm3, $0x1000, v57;
	v21 =	vsel vm12, v21, v23;
	v23 =	vsel vm12, v59, v25  }
0xa4: {  	vm5 =	vmand vm5, vm13;
	vm14 =	veq.f32 v29, v21;
	vm4 =	vlt.s32 v61, v23  }
0xa5: {  	vm2 =	vmor vm2, vm5;
	vm15 =	vgt.f32 v29, v21;
	vm3 =	vmand vm14, vm4  }
0xa6: {  	v22 =	vnsel vm2, $0xFF800000, v22;
	vm8 =	vgt.s32 v60, v20;
	vm3 =	vmor vm15, vm3  }
0xa7: {  	v20 =	vsel vm3, v29, v21;
	v21 =	vsel vm3, v61, v23;
	v23 =	vnsel vm2, $0x1000, v58  }
0xa8: {  	vm1 =	vmand vm1, vm8;
	vm9 =	veq.f32 v22, v20;
	vm3 =	vlt.s32 v23, v21  }
0xa9: {  	vm0 =	vmor vm0, vm1;
	vm10 =	vgt.f32 v22, v20;
	vm2 =	vmand vm9, vm3  }
0xaa: {  	v62 =	vnsel vm0, $0xFF800000, v24;
	vm11 =	vmor vm10, vm2  }
0xab: {  	v20 =	vsel vm11, v22, v20;
	v22 =	vsel vm11, v23, v21;
	v23 =	vnsel vm0, $0x1000, v60  }
0xac: {  	vm12 =	veq.f32 v62, v20;
	vm1 =	vlt.s32 v23, v22  }
0xad: {  	vm13 =	vgt.f32 v62, v20;
	vm0 =	vmand vm12, vm1  }
0xae: {  	vm0 =	vmor vm13, vm0  }
0xaf: {  	v20 =	vsel vm0, v62, v20  }
0xb0: {  	v21 =	vperm.xlane v20, v2;
	_ =	sdelay $0x1  }
0xb1: {  	v21 =	vmax.f32 v20, v21  }
0xb2: {  	v63 =	vperm.xlane v21, v3;
	_ =	sdelay $0x1  }
0xb3: {  	v21 =	vmax.f32 v21, v63  }
0xb4: {  	v24 =	vperm.xlane v21, v4;
	_ =	sdelay $0x1  }
0xb5: {  	v21 =	vmax.f32 v21, v24  }
0xb6: {  	v24 =	vperm.xlane v21, v5;
	_ =	sdelay $0x1  }
0xb7: {  	v21 =	vmax.f32 v21, v24  }
0xb8: {  	v22 =	vsel vm0, v23, v22;
	vm14 =	veq.f32 v20, v21  }
0xb9: {  	v20 =	vnsel vm14, $0x1000, v22  }
0xba: {  	v22 =	vperm.xlane v20, v2;
	_ =	sdelay $0x1  }
0xbb: {  	vm0 =	vlt.s32 v20, v22  }
0xbc: {  	v20 =	vsel vm0, v20, v22  }
0xbd: {  	v22 =	vperm.xlane v20, v3;
	_ =	sdelay $0x1  }
0xbe: {  	vm0 =	vlt.s32 v20, v22  }
0xbf: {  	v20 =	vsel vm0, v20, v22  }
0xc0: {  	v22 =	vperm.xlane v20, v4;
	_ =	sdelay $0x1  }
0xc1: {  	v23 =	vmov s21;
	s21 =	sadd.s32 $0x1, s21;
	vm0 =	vlt.s32 v20, v22  }
0xc2: {  	p1 =	sne.s32 s21, $0xA;
	v20 =	vsel vm0, v20, v22  }
.Ltmp6:
0xc3: {  	v22 =	vperm.xlane v20, v5;
	(pc) =	sbr.rel @p1 .LBB2_7-.Ltmp6, $4  }
0xc4: {  	_ = 	snop  }
0xc5: {  	vm0 =	vlt.s32 v20, v22  }
0xc6: {  	vm15 =	veq.s32 v23, v1;
	v20 =	vsel vm0, v20, v22  }
0xc7: {  	v18 =	vsel vm15, v20, v18  }
0xc8: {  	v19 =	vshra.s32 v18, $0x1F  }
0xc9: {  	v19 =	vshrl.u32 v19, $0x1A  }
0xca: {  	v19 =	vadd.s32 v19, v18  }
0xcb: {  	v19 =	vshra.s32 v19, $0x6  }
0xcc: {  	v20 =	vshll.u32 v19, $0x6  }
0xcd: {  	vm0 =	vlt.s32 v18, $0x1;
	vm1 =	vne.s32 v18, v20  }
0xce: {  	vm0 =	vmand vm0, vm1  }
0xcf: {  	v52 =	vsel vm0, $0xFFFFFFFF, v9  }
0xd0: {  	v19 =	vadd.s32 v52, v19  }
0xd1: {  	v19 =	vcvt.s32.f32 v19  }
0xd2: {  	v53 =	vand.u32 $0x3F, v18  }
0xd3: {  	v21 =	vld [tilespmem:$0x1400];
	v20 =	vcvt.s32.f32 v53;
	v19 =	vadd.f32 $5.000000000e-01, v19  }
0xd4: {  	v22 =	vld [tilespmem:$0x15E0]  }
0xd5: {  	v23 =	vld [tilespmem:$0x1410];
	v20 =	vadd.f32 $5.000000000e-01, v20;
	v19 =	vmul.f32 v19, v14  }
0xd6: {  	v18 =	vld.idx.msk [tilespmem:v18+s18+$0x0], $0xffff  }
0xd7: {  	v20 =	vmul.f32 v20, v14;
	v24 =	vperm.xlane v19, v9  }
0xd8: {  	v25 =	vld [tilespmem:$0x1420]  }
0xd9: {  	v54 =	vperm.xlane v20, v9;
	v21 =	vmul.f32 v21, v24  }
0xda: {  	v26 =	vld [tilespmem:$0x1430]  }
0xdb: {  	v56 =	vperm.xlane v18, v9;
	v55 =	vmul.f32 v23, v54;
	v21 =	vadd.f32 v21, v22  }
0xdc: {  	v57 =	vld [tilespmem:$0x1440]  }
0xdd: {  	v58 =	vmul.f32 v25, v56;
	v59 =	vperm.xlane v19, v7;
	v21 =	vadd.f32 v55, v21  }
0xde: {  	v60 =	vld [tilespmem:$0x1450]  }
0xdf: {  	v62 =	vperm.xlane v20, v7;
	v61 =	vmul.f32 v26, v59;
	v21 =	vadd.f32 v58, v21  }
0xe0: {  	v63 =	vld [tilespmem:$0x1460]  }
0xe1: {  	v29 =	vperm.xlane v18, v7;
	v28 =	vmul.f32 v57, v62;
	v21 =	vadd.f32 v61, v21  }
0xe2: {  	v30 =	vld [tilespmem:$0x1470]  }
0xe3: {  	v31 =	vmul.f32 v60, v29;
	v32 =	vperm.xlane v19, v10;
	v21 =	vadd.f32 v28, v21  }
0xe4: {  	v33 =	vld [tilespmem:$0x1480]  }
0xe5: {  	v35 =	vperm.xlane v20, v10;
	v34 =	vmul.f32 v63, v32;
	v21 =	vadd.f32 v31, v21  }
0xe6: {  	v36 =	vld [tilespmem:$0x1490]  }
0xe7: {  	v38 =	vperm.xlane v18, v10;
	v37 =	vmul.f32 v30, v35;
	v21 =	vadd.f32 v34, v21  }
0xe8: {  	v39 =	vld [tilespmem:$0x14A0]  }
0xe9: {  	v40 =	vmul.f32 v33, v38;
	v41 =	vperm.xlane v19, v11;
	v21 =	vadd.f32 v37, v21  }
0xea: {  	v42 =	vld [tilespmem:$0x14B0]  }
0xeb: {  	v44 =	vperm.xlane v20, v11;
	v43 =	vmul.f32 v36, v41;
	v21 =	vadd.f32 v40, v21  }
0xec: {  	v45 =	vld [tilespmem:$0x14C0]  }
0xed: {  	v47 =	vperm.xlane v18, v11;
	v46 =	vmul.f32 v39, v44;
	v21 =	vadd.f32 v43, v21  }
0xee: {  	v48 =	vld [tilespmem:$0x14D0]  }
0xef: {  	v49 =	vmul.f32 v42, v47;
	v50 =	vperm.xlane v19, v12;
	v21 =	vadd.f32 v46, v21  }
0xf0: {  	v51 =	vld [tilespmem:$0x14E0]  }
0xf1: {  	v53 =	vperm.xlane v20, v12;
	v52 =	vmul.f32 v45, v50;
	v21 =	vadd.f32 v49, v21  }
0xf2: {  	v54 =	vld [tilespmem:$0x14F0]  }
0xf3: {  	v56 =	vperm.xlane v18, v12;
	v55 =	vmul.f32 v48, v53;
	v21 =	vadd.f32 v52, v21  }
0xf4: {  	v57 =	vld [tilespmem:$0x1500]  }
0xf5: {  	v59 =	vperm.xlane v19, v13;
	v58 =	vmul.f32 v51, v56;
	v21 =	vadd.f32 v55, v21  }
0xf6: {  	v60 =	vld [tilespmem:$0x1510]  }
0xf7: {  	v62 =	vperm.xlane v20, v13;
	v61 =	vmul.f32 v54, v59;
	v21 =	vadd.f32 v58, v21  }
0xf8: {  	v63 =	vld [tilespmem:$0x1520]  }
0xf9: {  	v29 =	vperm.xlane v18, v13;
	v28 =	vmul.f32 v57, v62;
	v21 =	vadd.f32 v61, v21  }
0xfa: {  	v30 =	vld [tilespmem:$0x1530]  }
0xfb: {  	v32 =	vperm.xlane v19, v8;
	v31 =	vmul.f32 v60, v29;
	v21 =	vadd.f32 v28, v21  }
0xfc: {  	v33 =	vld [tilespmem:$0x1540]  }
0xfd: {  	v35 =	vperm.xlane v20, v8;
	v34 =	vmul.f32 v63, v32;
	v21 =	vadd.f32 v31, v21  }
0xfe: {  	v36 =	vld [tilespmem:$0x1550]  }
0xff: {  	v38 =	vperm.xlane v18, v8;
	v37 =	vmul.f32 v30, v35;
	v21 =	vadd.f32 v34, v21  }
0x100: {  	v39 =	vld [tilespmem:$0x1560]  }
0x101: {  	v41 =	vperm.xlane v19, v15;
	v40 =	vmul.f32 v33, v38;
	v21 =	vadd.f32 v37, v21  }
0x102: {  	v42 =	vld [tilespmem:$0x1570]  }
0x103: {  	v44 =	vperm.xlane v20, v15;
	v43 =	vmul.f32 v36, v41;
	v21 =	vadd.f32 v40, v21  }
0x104: {  	v45 =	vld [tilespmem:$0x1580]  }
0x105: {  	v47 =	vperm.xlane v18, v15;
	v46 =	vmul.f32 v39, v44;
	v21 =	vadd.f32 v43, v21  }
0x106: {  	v48 =	vld [tilespmem:$0x1590]  }
0x107: {  	v50 =	vperm.xlane v19, v16;
	v49 =	vmul.f32 v42, v47;
	v21 =	vadd.f32 v46, v21  }
0x108: {  	v51 =	vld [tilespmem:$0x15A0]  }
0x109: {  	v53 =	vperm.xlane v20, v16;
	v52 =	vmul.f32 v45, v50;
	v21 =	vadd.f32 v49, v21  }
0x10a: {  	v54 =	vld [tilespmem:$0x15B0]  }
0x10b: {  	v56 =	vperm.xlane v18, v16;
	v55 =	vmul.f32 v48, v53;
	v21 =	vadd.f32 v52, v21  }
0x10c: {  	v57 =	vld [tilespmem:$0x15C0]  }
0x10d: {  	v19 =	vperm.xlane v19, v17;
	v58 =	vmul.f32 v51, v56;
	v21 =	vadd.f32 v55, v21  }
0x10e: {  	v59 =	vld [tilespmem:$0x15D0]  }
0x10f: {  	v20 =	vperm.xlane v20, v17;
	v19 =	vmul.f32 v54, v19;
	v21 =	vadd.f32 v58, v21;
	_ =	sdelay $0x1  }
0x110: {  	v18 =	vperm.xlane v18, v17;
	v20 =	vmul.f32 v57, v20;
	v19 =	vadd.f32 v19, v21;
	_ =	sdelay $0x1  }
0x111: {  	v18 =	vmul.f32 v59, v18;
	v19 =	vadd.f32 v20, v19;
	_ =	sdelay $0x1  }
0x112: {  	v18 =	vadd.f32 v18, v19;
	_ =	sdelay $0x1  }
0x113: {  	v19 =	vperm.xlane v18, v2;
	_ =	sdelay $0x1  }
0x114: {  	v19 =	vmax.f32 v18, v19  }
0x115: {  	v60 =	vperm.xlane v19, v3;
	_ =	sdelay $0x1  }
0x116: {  	v19 =	vmax.f32 v19, v60  }
0x117: {  	v20 =	vperm.xlane v19, v4;
	_ =	sdelay $0x1  }
0x118: {  	v19 =	vmax.f32 v19, v20  }
0x119: {  	v20 =	vperm.xlane v19, v5;
	_ =	sdelay $0x1  }
0x11a: {  	v19 =	vmax.f32 v19, v20  }
0x11b: {  	v18 =	vsub.f32 v18, v19;
	_ =	sdelay $0x1  }
0x11c: {  	v18 =	vmul.f32 $1.442695020e+00, v18;
	_ =	sdelay $0x1  }
0x11d: {  	(erf) = vpow2.f32 v18;
	_ =	sdelay $0x8  }
0x11e: {  	vm12 =	veq.s32 v1, $0xF;
	v18 =	vpop (erf)  }
0x11f: {  	v18 =	vsel vm12, $0x0, v18  }
0x120: {  	v19 =	vperm.xlane v18, v2;
	_ =	sdelay $0x1  }
0x121: {  	v19 =	vadd.f32 v18, v19;
	_ =	sdelay $0x1  }
0x122: {  	v61 =	vperm.xlane v19, v3;
	_ =	sdelay $0x1  }
0x123: {  	v19 =	vadd.f32 v19, v61;
	_ =	sdelay $0x1  }
0x124: {  	v20 =	vperm.xlane v19, v4;
	_ =	sdelay $0x1  }
0x125: {  	v19 =	vadd.f32 v19, v20;
	_ =	sdelay $0x1  }
0x126: {  	v20 =	vperm.xlane v19, v5;
	_ =	sdelay $0x1  }
0x127: {  	v19 =	vadd.f32 v19, v20;
	_ =	sdelay $0x1  }
0x128: {  	(erf) = vrcp.f32 v19;
	_ =	sdelay $0x8  }
0x129: {  	v19 =	vpop (erf)  }
0x12a: {  	v18 =	vmul.f32 v19, v18;
	_ =	sdelay $0x1  }
0x12b: {  	v19 =	vperm.xlane v18, v2;
	_ =	sdelay $0x1  }
0x12c: {  	v19 =	vmax.f32 v18, v19  }
0x12d: {  	v62 =	vperm.xlane v19, v3;
	_ =	sdelay $0x1  }
0x12e: {  	v19 =	vmax.f32 v19, v62  }
0x12f: {  	v20 =	vperm.xlane v19, v4;
	_ =	sdelay $0x1  }
0x130: {  	v19 =	vmax.f32 v19, v20  }
0x131: {  	v20 =	vperm.xlane v19, v5;
	_ =	sdelay $0x1  }
0x132: {  	v19 =	vmax.f32 v19, v20  }
0x133: {  	vm13 =	veq.f32 v18, v19  }
0x134: {  	v18 =	vnsel vm13, $0x63, v1  }
0x135: {  	v63 =	vperm.xlane v18, v2;
	_ =	sdelay $0x1  }
0x136: {  	vm0 =	vlt.s32 v18, v63  }
0x137: {  	v18 =	vsel vm0, v18, v63  }
0x138: {  	v20 =	vperm.xlane v18, v3;
	_ =	sdelay $0x1  }
0x139: {  	vm0 =	vlt.s32 v18, v20  }
0x13a: {  	v18 =	vsel vm0, v18, v20  }
0x13b: {  	v20 =	vperm.xlane v18, v4;
	_ =	sdelay $0x1  }
0x13c: {  	vm0 =	vlt.s32 v18, v20  }
0x13d: {  	v18 =	vsel vm0, v18, v20  }
0x13e: {  	v20 =	vperm.xlane v18, v5;
	_ =	sdelay $0x1  }
0x13f: {  	vm0 =	vlt.s32 v18, v20  }
0x140: {  	vm14 =	vgt.f32 v19, $3.000000120e-01;
	v18 =	vsel vm0, v18, v20  }
0x141: {  	vm15 =	vmmov $0x1;
	v18 =	vnsel vm14, $0x4, v18  }
0x142: {  	v18 =	vnsel vm15, $0x0, v18  }
.Ltmp7:
0x143: {  	[tilespmem:$0x1600] =	vst v18;
	(pc) =	sbr.rel .LBB2_11-.Ltmp7, $4  }
0x144: {  	[hbm4b:s1+s4] =	stream.linear.scatter [tilespmem:s19], [sflag:$0x1], $0x80, $0x38;
	[tilespmem:$0x16A0] =	vst v63  }
0x145: {  	_ =	swait.ge [sflag:s14], $0x80  }
0x146: {  	[sflag:s14] =	ssyncset.done $0x0  }
0x147: {  	[sflag:s14] =	ssyncadd.s32 $0xFFFFFF80  }
.LBB2_12:
0x148: {  	_ =	sfence.sel $0x180000  }
0x149: {  	[bflag:$0x0] =	sbarrier.arrive $0xFFFF  }
0x14a: {  	p0 =	sne.s32 s5, $0x0;
	_ =	strace $0x90000047  }
0x14b: {  	s0 =	sadd.s32 @!p0 $0x100000, s0;
	[bflag:$0x2] =	sbarrier.arrive $0xFFFF  }
0x14c: {  	[sflag:s0] =	ssyncadd.tile.s32 @!p0 $0x1;
	_ =	shalt  }
.Lfunc_end2:
_tile_overlayer_lowered:
.L_overlay_start_2:
0x14d: {  	(tag) =	ssettag $0x2  }
0x14e: {  	s0 =	rddreg [dreg:$0x0];
	s2 =	stileid.u32  }
0x14f: {  	s1 =	rddreg [dreg:$0x1];
	p0 =	sne.s32 s2, $0x0  }
0x150: {  	s3 =	rddreg [dreg:$0x2];
	[bflag:$0x3] =	sbarrier.arrive $0xFFFF;
	s2 =	simm.s32 @!p0 $0x1C01  }
0x151: {  	[timem:s3], [sflag:s2] =	dma.local @!p0 [hbm:s0], s1  }
0x152: {  	s0 =	simm.s32 @!p0 $0x1  }
0x153: {  	_ =	swait.ge @!p0 [sflag:s0], s1  }
0x154: {  	s1 =	ssub.s32 @!p0 $0x0, s1;
	[sflag:s0] =	ssyncset.done @!p0 $0x0  }
0x155: {  	[sflag:s0] =	ssyncadd.s32 @!p0 s1  }
0x156: {  	[bflag:$0x3] =	sbarrier.arrive $0xFFFF  }
0x157: {  	_ =	shalt  }

</sc_bundles>
